<compile_context>
chip_gen: v7x
topology: tpu7x:2x2x1
jax: 0.10.2.dev20260603
libtpu: 0.0.44.dev20260713+nightly
codegen_flags: <defaults>
</compile_context>

<pallas_src>
import functools

import jax
import jax.numpy as jnp
from jax import lax
from jax.experimental import pallas as pl
from jax.experimental.pallas import tpu as pltpu
from jax.experimental.pallas import tpu_sc as plsc

_B, _HW, _C = 8, 56 * 56, 192
_NW = 32
_ROWS_PER_W = (_B * _HW) // _NW
_NCHUNK = 7
_CHUNK = _ROWS_PER_W // _NCHUNK
_W_PER_BATCH = _HW // _ROWS_PER_W
_LANES = 16

_mesh = plsc.VectorSubcoreMesh(core_axis_name="c", subcore_axis_name="s")


@functools.partial(
    pl.kernel,
    mesh=_mesh,
    out_type=jax.ShapeDtypeStruct((_B * _HW, _C), jnp.float32),
    scratch_types=[
        pltpu.VMEM((_NCHUNK, _CHUNK), jnp.int32),
        pltpu.VMEM((_CHUNK, _C), jnp.float32),
        pltpu.SemaphoreType.DMA,
    ],
    compiler_params=pltpu.CompilerParams(use_tc_tiling_on_sc=False),
)
def _shuffle_sc(x_hbm, r_hbm, out_hbm, idx_v, buf_v, sem):
    wid = lax.axis_index("s") * 2 + lax.axis_index("c")
    b = wid // _W_PER_BATCH
    off = (wid % _W_PER_BATCH) * _ROWS_PER_W

    for j in range(_NCHUNK):
        pltpu.sync_copy(r_hbm.at[pl.ds(off + j * _CHUNK, _CHUNK)], idx_v.at[j])

    base = b * _HW
    for j in range(_NCHUNK):
        for i in range(_CHUNK // _LANES):
            sl = pl.ds(i * _LANES, _LANES)
            idx_v[j, sl] = idx_v[j, sl] + base

    out_base = wid * _ROWS_PER_W
    for j in range(_NCHUNK):
        pltpu.async_copy(x_hbm.at[idx_v.at[j]], buf_v, sem).wait()
        pltpu.sync_copy(buf_v, out_hbm.at[pl.ds(out_base + j * _CHUNK, _CHUNK)])


def kernel(x, r):
    B, H, W, C = x.shape
    xf = x.reshape(B * H * W, C)
    out = _shuffle_sc(xf, r.astype(jnp.int32))
    return out.reshape(B, H, W, C)

# --- scband reference (transcript-rebuilt; emitter-appended) ---
"""Pipeline reference for scband-shuffle-6184752906321 (READ-ONLY COPY).

The authoritative reference and input builder live on the scoring server;
editing this copy changes nothing except your own understanding.
"""

import jax, jax.numpy as jnp
import numpy as np


def setup_inputs(seed: int = 0) -> dict:
    key = jax.random.key(seed)
    kx, kr = jax.random.split(key)
    x = jax.random.normal(kx, (8, 56, 56, 192), dtype=jnp.float32)
    # random permutation of the H*W spatial positions (torch.randperm equivalent)
    r = jax.random.permutation(kr, 56 * 56)
    return {"x": x, "r": r}


def reference(x, r):
    # Shuffle.forward in training mode: flatten spatial dims, permute, reshape back.
    B, H, W, C = x.shape
    xf = x.reshape(B, H * W, C)
    xs = jnp.take(xf, r, axis=1)  # gather along flattened spatial axis
    return xs.reshape(B, H, W, C)

if __name__ == "__main__":
    import jax
    _d = setup_inputs()
    print(jax.jit(kernel)(*tuple(_d.values())))

</pallas_src>

<mosaic_0001>
#map = affine_map<(d0, d1) -> (0, 0)>
#map1 = affine_map<(d0, d1) -> (0)>
module attributes {stable_mosaic.version = 14 : i64} {
  func.func @_shuffle_sc(%arg0: i32, %arg1: i32, %arg2: memref<25088x192xf32, #tpu.memory_space<hbm>>, %arg3: memref<3136xi32, #tpu.memory_space<hbm>>, %arg4: memref<25088x192xf32, #tpu.memory_space<hbm>>, %arg5: memref<7x112xi32, #tpu.memory_space<vmem>>, %arg6: memref<112x192xf32, #tpu.memory_space<vmem>>, %arg7: memref<!tpu.dma_semaphore, #tpu.memory_space<semaphore_mem>>) attributes {dimension_semantics = [#tpu.dimension_semantics<core_parallel>, #tpu.dimension_semantics<subcore_parallel>], iteration_bounds = array<i64: 2, 16>, scalar_prefetch = 0 : i64, scratch_operands = 3 : i64, tpu.core_type = #tpu.core_type<sc_vector_subcore>, window_params = [{transform_indices = #map}, {transform_indices = #map1}, {transform_indices = #map}]} {
    %mul3A = arith.constant 2 : i32
    %mul3A_0 = arith.muli %arg1, %mul3A : i32
    %add3A = arith.addi %mul3A_0, %arg0 : i32
    %jit3A = arith.constant 4 : i32
    %div3A = arith.divsi %add3A, %jit3A : i32
    %sign3A = arith.constant 0 : i32
    %sign3A_1 = arith.cmpi sgt, %add3A, %sign3A : i32
    %sign3A_2 = arith.extui %sign3A_1 : i1 to i32
    %sign3A_3 = arith.constant 0 : i32
    %sign3A_4 = arith.cmpi slt, %add3A, %sign3A_3 : i32
    %sign3A_5 = arith.extui %sign3A_4 : i1 to i32
    %sign3A_6 = arith.subi %sign3A_2, %sign3A_5 : i32
    %sign3A_7 = arith.constant 0 : i32
    %sign3A_8 = arith.cmpi sgt, %jit3A, %sign3A_7 : i32
    %sign3A_9 = arith.extui %sign3A_8 : i1 to i32
    %sign3A_10 = arith.constant 0 : i32
    %sign3A_11 = arith.cmpi slt, %jit3A, %sign3A_10 : i32
    %sign3A_12 = arith.extui %sign3A_11 : i1 to i32
    %sign3A_13 = arith.subi %sign3A_9, %sign3A_12 : i32
    %ne3A = arith.cmpi ne, %sign3A_6, %sign3A_13 : i32
    %rem3A = arith.remsi %add3A, %jit3A : i32
    %ne3A_14 = arith.constant 0 : i32
    %ne3A_15 = arith.cmpi ne, %rem3A, %ne3A_14 : i32
    %and3A = arith.andi %ne3A, %ne3A_15 : i1
    %sub3A = arith.constant 1 : i32
    %sub3A_16 = arith.subi %div3A, %sub3A : i32
    %select_n3A = arith.select %and3A, %sub3A_16, %div3A : i32
    %jit3A_17 = arith.constant 4 : i32
    %eq3A = arith.constant 0 : i32
    %eq3A_18 = arith.cmpi eq, %jit3A_17, %eq3A : i32
    %jit3A_19 = arith.constant 1 : i32
    %select_n3A_20 = arith.select %eq3A_18, %jit3A_19, %jit3A_17 : i32
    %rem3A_21 = arith.remsi %add3A, %select_n3A_20 : i32
    %ne3A_22 = arith.constant 0 : i32
    %ne3A_23 = arith.cmpi ne, %rem3A_21, %ne3A_22 : i32
    %lt3A = arith.constant 0 : i32
    %lt3A_24 = arith.cmpi slt, %rem3A_21, %lt3A : i32
    %lt3A_25 = arith.constant 0 : i32
    %lt3A_26 = arith.cmpi slt, %select_n3A_20, %lt3A_25 : i32
    %ne3A_27 = arith.xori %lt3A_24, %lt3A_26 : i1
    %and3A_28 = arith.andi %ne3A_27, %ne3A_23 : i1
    %add3A_29 = arith.addi %rem3A_21, %select_n3A_20 : i32
    %select_n3A_30 = arith.select %and3A_28, %add3A_29, %rem3A_21 : i32
    %mul3A_31 = arith.constant 784 : i32
    %mul3A_32 = arith.muli %select_n3A_30, %mul3A_31 : i32
    %add3A_33 = arith.constant 0 : i32
    %add3A_34 = arith.addi %mul3A_32, %add3A_33 : i32
    %run_scoped3A = arith.constant 0 : i32
    "tpu.region"() ({
      %run_scoped3A_802 = tpu.sem_alloc : memref<!tpu.dma_semaphore, #tpu.memory_space<semaphore_mem>>
      %dma_start3A_803 = arith.constant 0 : i32
      %dma_start3A_804 = tpu.memref_slice %arg5[%run_scoped3A, %dma_start3A_803] : memref<7x112xi32, #tpu.memory_space<vmem>> -> memref<1x112xi32, #tpu.memory_space<vmem>>
      %dma_start3A_805 = tpu.memref_squeeze %dma_start3A_804 : memref<1x112xi32, #tpu.memory_space<vmem>> -> memref<112xi32, #tpu.memory_space<vmem>>
      %dma_start3A_806 = tpu.memref_slice %arg3[%add3A_34] : memref<3136xi32, #tpu.memory_space<hbm>> -> memref<112xi32, #tpu.memory_space<hbm>>
      %dma_start3A_807 = arith.constant 0 : i32
      %dma_start3A_808 = tpu.memref_slice %arg5[%run_scoped3A, %dma_start3A_807] : memref<7x112xi32, #tpu.memory_space<vmem>> -> memref<1x112xi32, #tpu.memory_space<vmem>>
      %dma_start3A_809 = tpu.memref_squeeze %dma_start3A_808 : memref<1x112xi32, #tpu.memory_space<vmem>> -> memref<112xi32, #tpu.memory_space<vmem>>
      %dma_start3A_810 = tpu.memref_slice %arg3[%add3A_34] : memref<3136xi32, #tpu.memory_space<hbm>> -> memref<112xi32, #tpu.memory_space<hbm>>
      tpu.enqueue_dma source(%dma_start3A_810 : memref<112xi32, #tpu.memory_space<hbm>>) target(%dma_start3A_809 : memref<112xi32, #tpu.memory_space<vmem>>) target_semaphore(%run_scoped3A_802 : memref<!tpu.dma_semaphore, #tpu.memory_space<semaphore_mem>>)
      %dma_wait3A_811 = arith.constant 0 : i32
      %dma_wait3A_812 = tpu.memref_slice %arg5[%run_scoped3A, %dma_wait3A_811] : memref<7x112xi32, #tpu.memory_space<vmem>> -> memref<1x112xi32, #tpu.memory_space<vmem>>
      %dma_wait3A_813 = tpu.memref_squeeze %dma_wait3A_812 : memref<1x112xi32, #tpu.memory_space<vmem>> -> memref<112xi32, #tpu.memory_space<vmem>>
      %dma_wait3A_814 = tpu.memref_slice %arg3[%add3A_34] : memref<3136xi32, #tpu.memory_space<hbm>> -> memref<112xi32, #tpu.memory_space<hbm>>
      %dma_wait3A_815 = arith.constant 0 : i32
      %dma_wait3A_816 = tpu.memref_slice %arg5[%run_scoped3A, %dma_wait3A_815] : memref<7x112xi32, #tpu.memory_space<vmem>> -> memref<1x112xi32, #tpu.memory_space<vmem>>
      %dma_wait3A_817 = tpu.memref_squeeze %dma_wait3A_816 : memref<1x112xi32, #tpu.memory_space<vmem>> -> memref<112xi32, #tpu.memory_space<vmem>>
      %dma_wait3A_818 = tpu.memref_slice %arg3[%add3A_34] : memref<3136xi32, #tpu.memory_space<hbm>> -> memref<112xi32, #tpu.memory_space<hbm>>
      tpu.wait_dma2 semaphore(%run_scoped3A_802 : memref<!tpu.dma_semaphore, #tpu.memory_space<semaphore_mem>>) src(%dma_wait3A_818 : memref<112xi32, #tpu.memory_space<hbm>>) dst(%dma_wait3A_817 : memref<112xi32, #tpu.memory_space<vmem>>)
      tpu.yield
    }) : () -> ()
    %add3A_35 = arith.constant 112 : i32
    %add3A_36 = arith.addi %mul3A_32, %add3A_35 : i32
    %run_scoped3A_37 = arith.constant 1 : i32
    "tpu.region"() ({
      %run_scoped3A_802 = tpu.sem_alloc : memref<!tpu.dma_semaphore, #tpu.memory_space<semaphore_mem>>
      %dma_start3A_803 = arith.constant 0 : i32
      %dma_start3A_804 = tpu.memref_slice %arg5[%run_scoped3A_37, %dma_start3A_803] : memref<7x112xi32, #tpu.memory_space<vmem>> -> memref<1x112xi32, #tpu.memory_space<vmem>>
      %dma_start3A_805 = tpu.memref_squeeze %dma_start3A_804 : memref<1x112xi32, #tpu.memory_space<vmem>> -> memref<112xi32, #tpu.memory_space<vmem>>
      %dma_start3A_806 = tpu.memref_slice %arg3[%add3A_36] : memref<3136xi32, #tpu.memory_space<hbm>> -> memref<112xi32, #tpu.memory_space<hbm>>
      %dma_start3A_807 = arith.constant 0 : i32
      %dma_start3A_808 = tpu.memref_slice %arg5[%run_scoped3A_37, %dma_start3A_807] : memref<7x112xi32, #tpu.memory_space<vmem>> -> memref<1x112xi32, #tpu.memory_space<vmem>>
      %dma_start3A_809 = tpu.memref_squeeze %dma_start3A_808 : memref<1x112xi32, #tpu.memory_space<vmem>> -> memref<112xi32, #tpu.memory_space<vmem>>
      %dma_start3A_810 = tpu.memref_slice %arg3[%add3A_36] : memref<3136xi32, #tpu.memory_space<hbm>> -> memref<112xi32, #tpu.memory_space<hbm>>
      tpu.enqueue_dma source(%dma_start3A_810 : memref<112xi32, #tpu.memory_space<hbm>>) target(%dma_start3A_809 : memref<112xi32, #tpu.memory_space<vmem>>) target_semaphore(%run_scoped3A_802 : memref<!tpu.dma_semaphore, #tpu.memory_space<semaphore_mem>>)
      %dma_wait3A_811 = arith.constant 0 : i32
      %dma_wait3A_812 = tpu.memref_slice %arg5[%run_scoped3A_37, %dma_wait3A_811] : memref<7x112xi32, #tpu.memory_space<vmem>> -> memref<1x112xi32, #tpu.memory_space<vmem>>
      %dma_wait3A_813 = tpu.memref_squeeze %dma_wait3A_812 : memref<1x112xi32, #tpu.memory_space<vmem>> -> memref<112xi32, #tpu.memory_space<vmem>>
      %dma_wait3A_814 = tpu.memref_slice %arg3[%add3A_36] : memref<3136xi32, #tpu.memory_space<hbm>> -> memref<112xi32, #tpu.memory_space<hbm>>
      %dma_wait3A_815 = arith.constant 0 : i32
      %dma_wait3A_816 = tpu.memref_slice %arg5[%run_scoped3A_37, %dma_wait3A_815] : memref<7x112xi32, #tpu.memory_space<vmem>> -> memref<1x112xi32, #tpu.memory_space<vmem>>
      %dma_wait3A_817 = tpu.memref_squeeze %dma_wait3A_816 : memref<1x112xi32, #tpu.memory_space<vmem>> -> memref<112xi32, #tpu.memory_space<vmem>>
      %dma_wait3A_818 = tpu.memref_slice %arg3[%add3A_36] : memref<3136xi32, #tpu.memory_space<hbm>> -> memref<112xi32, #tpu.memory_space<hbm>>
      tpu.wait_dma2 semaphore(%run_scoped3A_802 : memref<!tpu.dma_semaphore, #tpu.memory_space<semaphore_mem>>) src(%dma_wait3A_818 : memref<112xi32, #tpu.memory_space<hbm>>) dst(%dma_wait3A_817 : memref<112xi32, #tpu.memory_space<vmem>>)
      tpu.yield
    }) : () -> ()
    %add3A_38 = arith.constant 224 : i32
    %add3A_39 = arith.addi %mul3A_32, %add3A_38 : i32
    %run_scoped3A_40 = arith.constant 2 : i32
    "tpu.region"() ({
      %run_scoped3A_802 = tpu.sem_alloc : memref<!tpu.dma_semaphore, #tpu.memory_space<semaphore_mem>>
      %dma_start3A_803 = arith.constant 0 : i32
      %dma_start3A_804 = tpu.memref_slice %arg5[%run_scoped3A_40, %dma_start3A_803] : memref<7x112xi32, #tpu.memory_space<vmem>> -> memref<1x112xi32, #tpu.memory_space<vmem>>
      %dma_start3A_805 = tpu.memref_squeeze %dma_start3A_804 : memref<1x112xi32, #tpu.memory_space<vmem>> -> memref<112xi32, #tpu.memory_space<vmem>>
      %dma_start3A_806 = tpu.memref_slice %arg3[%add3A_39] : memref<3136xi32, #tpu.memory_space<hbm>> -> memref<112xi32, #tpu.memory_space<hbm>>
      %dma_start3A_807 = arith.constant 0 : i32
      %dma_start3A_808 = tpu.memref_slice %arg5[%run_scoped3A_40, %dma_start3A_807] : memref<7x112xi32, #tpu.memory_space<vmem>> -> memref<1x112xi32, #tpu.memory_space<vmem>>
      %dma_start3A_809 = tpu.memref_squeeze %dma_start3A_808 : memref<1x112xi32, #tpu.memory_space<vmem>> -> memref<112xi32, #tpu.memory_space<vmem>>
      %dma_start3A_810 = tpu.memref_slice %arg3[%add3A_39] : memref<3136xi32, #tpu.memory_space<hbm>> -> memref<112xi32, #tpu.memory_space<hbm>>
      tpu.enqueue_dma source(%dma_start3A_810 : memref<112xi32, #tpu.memory_space<hbm>>) target(%dma_start3A_809 : memref<112xi32, #tpu.memory_space<vmem>>) target_semaphore(%run_scoped3A_802 : memref<!tpu.dma_semaphore, #tpu.memory_space<semaphore_mem>>)
      %dma_wait3A_811 = arith.constant 0 : i32
      %dma_wait3A_812 = tpu.memref_slice %arg5[%run_scoped3A_40, %dma_wait3A_811] : memref<7x112xi32, #tpu.memory_space<vmem>> -> memref<1x112xi32, #tpu.memory_space<vmem>>
      %dma_wait3A_813 = tpu.memref_squeeze %dma_wait3A_812 : memref<1x112xi32, #tpu.memory_space<vmem>> -> memref<112xi32, #tpu.memory_space<vmem>>
      %dma_wait3A_814 = tpu.memref_slice %arg3[%add3A_39] : memref<3136xi32, #tpu.memory_space<hbm>> -> memref<112xi32, #tpu.memory_space<hbm>>
      %dma_wait3A_815 = arith.constant 0 : i32
      %dma_wait3A_816 = tpu.memref_slice %arg5[%run_scoped3A_40, %dma_wait3A_815] : memref<7x112xi32, #tpu.memory_space<vmem>> -> memref<1x112xi32, #tpu.memory_space<vmem>>
      %dma_wait3A_817 = tpu.memref_squeeze %dma_wait3A_816 : memref<1x112xi32, #tpu.memory_space<vmem>> -> memref<112xi32, #tpu.memory_space<vmem>>
      %dma_wait3A_818 = tpu.memref_slice %arg3[%add3A_39] : memref<3136xi32, #tpu.memory_space<hbm>> -> memref<112xi32, #tpu.memory_space<hbm>>
      tpu.wait_dma2 semaphore(%run_scoped3A_802 : memref<!tpu.dma_semaphore, #tpu.memory_space<semaphore_mem>>) src(%dma_wait3A_818 : memref<112xi32, #tpu.memory_space<hbm>>) dst(%dma_wait3A_817 : memref<112xi32, #tpu.memory_space<vmem>>)
      tpu.yield
    }) : () -> ()
    %add3A_41 = arith.constant 336 : i32
    %add3A_42 = arith.addi %mul3A_32, %add3A_41 : i32
    %run_scoped3A_43 = arith.constant 3 : i32
    "tpu.region"() ({
      %run_scoped3A_802 = tpu.sem_alloc : memref<!tpu.dma_semaphore, #tpu.memory_space<semaphore_mem>>
      %dma_start3A_803 = arith.constant 0 : i32
      %dma_start3A_804 = tpu.memref_slice %arg5[%run_scoped3A_43, %dma_start3A_803] : memref<7x112xi32, #tpu.memory_space<vmem>> -> memref<1x112xi32, #tpu.memory_space<vmem>>
      %dma_start3A_805 = tpu.memref_squeeze %dma_start3A_804 : memref<1x112xi32, #tpu.memory_space<vmem>> -> memref<112xi32, #tpu.memory_space<vmem>>
      %dma_start3A_806 = tpu.memref_slice %arg3[%add3A_42] : memref<3136xi32, #tpu.memory_space<hbm>> -> memref<112xi32, #tpu.memory_space<hbm>>
      %dma_start3A_807 = arith.constant 0 : i32
      %dma_start3A_808 = tpu.memref_slice %arg5[%run_scoped3A_43, %dma_start3A_807] : memref<7x112xi32, #tpu.memory_space<vmem>> -> memref<1x112xi32, #tpu.memory_space<vmem>>
      %dma_start3A_809 = tpu.memref_squeeze %dma_start3A_808 : memref<1x112xi32, #tpu.memory_space<vmem>> -> memref<112xi32, #tpu.memory_space<vmem>>
      %dma_start3A_810 = tpu.memref_slice %arg3[%add3A_42] : memref<3136xi32, #tpu.memory_space<hbm>> -> memref<112xi32, #tpu.memory_space<hbm>>
      tpu.enqueue_dma source(%dma_start3A_810 : memref<112xi32, #tpu.memory_space<hbm>>) target(%dma_start3A_809 : memref<112xi32, #tpu.memory_space<vmem>>) target_semaphore(%run_scoped3A_802 : memref<!tpu.dma_semaphore, #tpu.memory_space<semaphore_mem>>)
      %dma_wait3A_811 = arith.constant 0 : i32
      %dma_wait3A_812 = tpu.memref_slice %arg5[%run_scoped3A_43, %dma_wait3A_811] : memref<7x112xi32, #tpu.memory_space<vmem>> -> memref<1x112xi32, #tpu.memory_space<vmem>>
      %dma_wait3A_813 = tpu.memref_squeeze %dma_wait3A_812 : memref<1x112xi32, #tpu.memory_space<vmem>> -> memref<112xi32, #tpu.memory_space<vmem>>
      %dma_wait3A_814 = tpu.memref_slice %arg3[%add3A_42] : memref<3136xi32, #tpu.memory_space<hbm>> -> memref<112xi32, #tpu.memory_space<hbm>>
      %dma_wait3A_815 = arith.constant 0 : i32
      %dma_wait3A_816 = tpu.memref_slice %arg5[%run_scoped3A_43, %dma_wait3A_815] : memref<7x112xi32, #tpu.memory_space<vmem>> -> memref<1x112xi32, #tpu.memory_space<vmem>>
      %dma_wait3A_817 = tpu.memref_squeeze %dma_wait3A_816 : memref<1x112xi32, #tpu.memory_space<vmem>> -> memref<112xi32, #tpu.memory_space<vmem>>
      %dma_wait3A_818 = tpu.memref_slice %arg3[%add3A_42] : memref<3136xi32, #tpu.memory_space<hbm>> -> memref<112xi32, #tpu.memory_space<hbm>>
      tpu.wait_dma2 semaphore(%run_scoped3A_802 : memref<!tpu.dma_semaphore, #tpu.memory_space<semaphore_mem>>) src(%dma_wait3A_818 : memref<112xi32, #tpu.memory_space<hbm>>) dst(%dma_wait3A_817 : memref<112xi32, #tpu.memory_space<vmem>>)
      tpu.yield
    }) : () -> ()
    %add3A_44 = arith.constant 448 : i32
    %add3A_45 = arith.addi %mul3A_32, %add3A_44 : i32
    %run_scoped3A_46 = arith.constant 4 : i32
    "tpu.region"() ({
      %run_scoped3A_802 = tpu.sem_alloc : memref<!tpu.dma_semaphore, #tpu.memory_space<semaphore_mem>>
      %dma_start3A_803 = arith.constant 0 : i32
      %dma_start3A_804 = tpu.memref_slice %arg5[%run_scoped3A_46, %dma_start3A_803] : memref<7x112xi32, #tpu.memory_space<vmem>> -> memref<1x112xi32, #tpu.memory_space<vmem>>
      %dma_start3A_805 = tpu.memref_squeeze %dma_start3A_804 : memref<1x112xi32, #tpu.memory_space<vmem>> -> memref<112xi32, #tpu.memory_space<vmem>>
      %dma_start3A_806 = tpu.memref_slice %arg3[%add3A_45] : memref<3136xi32, #tpu.memory_space<hbm>> -> memref<112xi32, #tpu.memory_space<hbm>>
      %dma_start3A_807 = arith.constant 0 : i32
      %dma_start3A_808 = tpu.memref_slice %arg5[%run_scoped3A_46, %dma_start3A_807] : memref<7x112xi32, #tpu.memory_space<vmem>> -> memref<1x112xi32, #tpu.memory_space<vmem>>
      %dma_start3A_809 = tpu.memref_squeeze %dma_start3A_808 : memref<1x112xi32, #tpu.memory_space<vmem>> -> memref<112xi32, #tpu.memory_space<vmem>>
      %dma_start3A_810 = tpu.memref_slice %arg3[%add3A_45] : memref<3136xi32, #tpu.memory_space<hbm>> -> memref<112xi32, #tpu.memory_space<hbm>>
      tpu.enqueue_dma source(%dma_start3A_810 : memref<112xi32, #tpu.memory_space<hbm>>) target(%dma_start3A_809 : memref<112xi32, #tpu.memory_space<vmem>>) target_semaphore(%run_scoped3A_802 : memref<!tpu.dma_semaphore, #tpu.memory_space<semaphore_mem>>)
      %dma_wait3A_811 = arith.constant 0 : i32
      %dma_wait3A_812 = tpu.memref_slice %arg5[%run_scoped3A_46, %dma_wait3A_811] : memref<7x112xi32, #tpu.memory_space<vmem>> -> memref<1x112xi32, #tpu.memory_space<vmem>>
      %dma_wait3A_813 = tpu.memref_squeeze %dma_wait3A_812 : memref<1x112xi32, #tpu.memory_space<vmem>> -> memref<112xi32, #tpu.memory_space<vmem>>
      %dma_wait3A_814 = tpu.memref_slice %arg3[%add3A_45] : memref<3136xi32, #tpu.memory_space<hbm>> -> memref<112xi32, #tpu.memory_space<hbm>>
      %dma_wait3A_815 = arith.constant 0 : i32
      %dma_wait3A_816 = tpu.memref_slice %arg5[%run_scoped3A_46, %dma_wait3A_815] : memref<7x112xi32, #tpu.memory_space<vmem>> -> memref<1x112xi32, #tpu.memory_space<vmem>>
      %dma_wait3A_817 = tpu.memref_squeeze %dma_wait3A_816 : memref<1x112xi32, #tpu.memory_space<vmem>> -> memref<112xi32, #tpu.memory_space<vmem>>
      %dma_wait3A_818 = tpu.memref_slice %arg3[%add3A_45] : memref<3136xi32, #tpu.memory_space<hbm>> -> memref<112xi32, #tpu.memory_space<hbm>>
      tpu.wait_dma2 semaphore(%run_scoped3A_802 : memref<!tpu.dma_semaphore, #tpu.memory_space<semaphore_mem>>) src(%dma_wait3A_818 : memref<112xi32, #tpu.memory_space<hbm>>) dst(%dma_wait3A_817 : memref<112xi32, #tpu.memory_space<vmem>>)
      tpu.yield
    }) : () -> ()
    %add3A_47 = arith.constant 560 : i32
    %add3A_48 = arith.addi %mul3A_32, %add3A_47 : i32
    %run_scoped3A_49 = arith.constant 5 : i32
    "tpu.region"() ({
      %run_scoped3A_802 = tpu.sem_alloc : memref<!tpu.dma_semaphore, #tpu.memory_space<semaphore_mem>>
      %dma_start3A_803 = arith.constant 0 : i32
      %dma_start3A_804 = tpu.memref_slice %arg5[%run_scoped3A_49, %dma_start3A_803] : memref<7x112xi32, #tpu.memory_space<vmem>> -> memref<1x112xi32, #tpu.memory_space<vmem>>
      %dma_start3A_805 = tpu.memref_squeeze %dma_start3A_804 : memref<1x112xi32, #tpu.memory_space<vmem>> -> memref<112xi32, #tpu.memory_space<vmem>>
      %dma_start3A_806 = tpu.memref_slice %arg3[%add3A_48] : memref<3136xi32, #tpu.memory_space<hbm>> -> memref<112xi32, #tpu.memory_space<hbm>>
      %dma_start3A_807 = arith.constant 0 : i32
      %dma_start3A_808 = tpu.memref_slice %arg5[%run_scoped3A_49, %dma_start3A_807] : memref<7x112xi32, #tpu.memory_space<vmem>> -> memref<1x112xi32, #tpu.memory_space<vmem>>
      %dma_start3A_809 = tpu.memref_squeeze %dma_start3A_808 : memref<1x112xi32, #tpu.memory_space<vmem>> -> memref<112xi32, #tpu.memory_space<vmem>>
      %dma_start3A_810 = tpu.memref_slice %arg3[%add3A_48] : memref<3136xi32, #tpu.memory_space<hbm>> -> memref<112xi32, #tpu.memory_space<hbm>>
      tpu.enqueue_dma source(%dma_start3A_810 : memref<112xi32, #tpu.memory_space<hbm>>) target(%dma_start3A_809 : memref<112xi32, #tpu.memory_space<vmem>>) target_semaphore(%run_scoped3A_802 : memref<!tpu.dma_semaphore, #tpu.memory_space<semaphore_mem>>)
      %dma_wait3A_811 = arith.constant 0 : i32
      %dma_wait3A_812 = tpu.memref_slice %arg5[%run_scoped3A_49, %dma_wait3A_811] : memref<7x112xi32, #tpu.memory_space<vmem>> -> memref<1x112xi32, #tpu.memory_space<vmem>>
      %dma_wait3A_813 = tpu.memref_squeeze %dma_wait3A_812 : memref<1x112xi32, #tpu.memory_space<vmem>> -> memref<112xi32, #tpu.memory_space<vmem>>
      %dma_wait3A_814 = tpu.memref_slice %arg3[%add3A_48] : memref<3136xi32, #tpu.memory_space<hbm>> -> memref<112xi32, #tpu.memory_space<hbm>>
      %dma_wait3A_815 = arith.constant 0 : i32
      %dma_wait3A_816 = tpu.memref_slice %arg5[%run_scoped3A_49, %dma_wait3A_815] : memref<7x112xi32, #tpu.memory_space<vmem>> -> memref<1x112xi32, #tpu.memory_space<vmem>>
      %dma_wait3A_817 = tpu.memref_squeeze %dma_wait3A_816 : memref<1x112xi32, #tpu.memory_space<vmem>> -> memref<112xi32, #tpu.memory_space<vmem>>
      %dma_wait3A_818 = tpu.memref_slice %arg3[%add3A_48] : memref<3136xi32, #tpu.memory_space<hbm>> -> memref<112xi32, #tpu.memory_space<hbm>>
      tpu.wait_dma2 semaphore(%run_scoped3A_802 : memref<!tpu.dma_semaphore, #tpu.memory_space<semaphore_mem>>) src(%dma_wait3A_818 : memref<112xi32, #tpu.memory_space<hbm>>) dst(%dma_wait3A_817 : memref<112xi32, #tpu.memory_space<vmem>>)
      tpu.yield
    }) : () -> ()
    %add3A_50 = arith.constant 672 : i32
    %add3A_51 = arith.addi %mul3A_32, %add3A_50 : i32
    %run_scoped3A_52 = arith.constant 6 : i32
    "tpu.region"() ({
      %run_scoped3A_802 = tpu.sem_alloc : memref<!tpu.dma_semaphore, #tpu.memory_space<semaphore_mem>>
      %dma_start3A_803 = arith.constant 0 : i32
      %dma_start3A_804 = tpu.memref_slice %arg5[%run_scoped3A_52, %dma_start3A_803] : memref<7x112xi32, #tpu.memory_space<vmem>> -> memref<1x112xi32, #tpu.memory_space<vmem>>
      %dma_start3A_805 = tpu.memref_squeeze %dma_start3A_804 : memref<1x112xi32, #tpu.memory_space<vmem>> -> memref<112xi32, #tpu.memory_space<vmem>>
      %dma_start3A_806 = tpu.memref_slice %arg3[%add3A_51] : memref<3136xi32, #tpu.memory_space<hbm>> -> memref<112xi32, #tpu.memory_space<hbm>>
      %dma_start3A_807 = arith.constant 0 : i32
      %dma_start3A_808 = tpu.memref_slice %arg5[%run_scoped3A_52, %dma_start3A_807] : memref<7x112xi32, #tpu.memory_space<vmem>> -> memref<1x112xi32, #tpu.memory_space<vmem>>
      %dma_start3A_809 = tpu.memref_squeeze %dma_start3A_808 : memref<1x112xi32, #tpu.memory_space<vmem>> -> memref<112xi32, #tpu.memory_space<vmem>>
      %dma_start3A_810 = tpu.memref_slice %arg3[%add3A_51] : memref<3136xi32, #tpu.memory_space<hbm>> -> memref<112xi32, #tpu.memory_space<hbm>>
      tpu.enqueue_dma source(%dma_start3A_810 : memref<112xi32, #tpu.memory_space<hbm>>) target(%dma_start3A_809 : memref<112xi32, #tpu.memory_space<vmem>>) target_semaphore(%run_scoped3A_802 : memref<!tpu.dma_semaphore, #tpu.memory_space<semaphore_mem>>)
      %dma_wait3A_811 = arith.constant 0 : i32
      %dma_wait3A_812 = tpu.memref_slice %arg5[%run_scoped3A_52, %dma_wait3A_811] : memref<7x112xi32, #tpu.memory_space<vmem>> -> memref<1x112xi32, #tpu.memory_space<vmem>>
      %dma_wait3A_813 = tpu.memref_squeeze %dma_wait3A_812 : memref<1x112xi32, #tpu.memory_space<vmem>> -> memref<112xi32, #tpu.memory_space<vmem>>
      %dma_wait3A_814 = tpu.memref_slice %arg3[%add3A_51] : memref<3136xi32, #tpu.memory_space<hbm>> -> memref<112xi32, #tpu.memory_space<hbm>>
      %dma_wait3A_815 = arith.constant 0 : i32
      %dma_wait3A_816 = tpu.memref_slice %arg5[%run_scoped3A_52, %dma_wait3A_815] : memref<7x112xi32, #tpu.memory_space<vmem>> -> memref<1x112xi32, #tpu.memory_space<vmem>>
      %dma_wait3A_817 = tpu.memref_squeeze %dma_wait3A_816 : memref<1x112xi32, #tpu.memory_space<vmem>> -> memref<112xi32, #tpu.memory_space<vmem>>
      %dma_wait3A_818 = tpu.memref_slice %arg3[%add3A_51] : memref<3136xi32, #tpu.memory_space<hbm>> -> memref<112xi32, #tpu.memory_space<hbm>>
      tpu.wait_dma2 semaphore(%run_scoped3A_802 : memref<!tpu.dma_semaphore, #tpu.memory_space<semaphore_mem>>) src(%dma_wait3A_818 : memref<112xi32, #tpu.memory_space<hbm>>) dst(%dma_wait3A_817 : memref<112xi32, #tpu.memory_space<vmem>>)
      tpu.yield
    }) : () -> ()
    %mul3A_53 = arith.constant 3136 : i32
    %mul3A_54 = arith.muli %select_n3A, %mul3A_53 : i32
    %get3A = arith.constant 0 : i32
    %get3A_55 = arith.index_cast %get3A : i32 to index
    %get3A_56 = arith.constant 0 : index
    %get3A_57 = tpu.vector_load %arg5[%get3A_55, %get3A_56] {strides = array<i32>} : memref<7x112xi32, #tpu.memory_space<vmem>>, vector<1x16xi32>,
    %get3A_58 = vector.shape_cast %get3A_57 : vector<1x16xi32> to vector<16xi32>
    %add3A_59 = vector.broadcast %mul3A_54 : i32 to vector<16xi32>
    %add3A_60 = arith.addi %get3A_58, %add3A_59 : vector<16xi32>
    %swap3A = arith.constant 0 : i32
    %swap3A_61 = arith.index_cast %swap3A : i32 to index
    %swap3A_62 = arith.constant 0 : index
    %swap3A_63 = tpu.vector_load %arg5[%swap3A_61, %swap3A_62] {strides = array<i32>} : memref<7x112xi32, #tpu.memory_space<vmem>>, vector<1x16xi32>,
    %swap3A_64 = vector.shape_cast %swap3A_63 : vector<1x16xi32> to vector<16xi32>
    %swap3A_65 = vector.shape_cast %add3A_60 : vector<16xi32> to vector<1x16xi32>
    tpu.vector_store %arg5[%swap3A_61, %swap3A_62], %swap3A_65 {strides = array<i32>} : memref<7x112xi32, #tpu.memory_space<vmem>>, vector<1x16xi32>,
    %get3A_66 = arith.constant 0 : i32
    %get3A_67 = arith.index_cast %get3A_66 : i32 to index
    %get3A_68 = arith.constant 16 : index
    %get3A_69 = tpu.vector_load %arg5[%get3A_67, %get3A_68] {strides = array<i32>} : memref<7x112xi32, #tpu.memory_space<vmem>>, vector<1x16xi32>,
    %get3A_70 = vector.shape_cast %get3A_69 : vector<1x16xi32> to vector<16xi32>
    %add3A_71 = vector.broadcast %mul3A_54 : i32 to vector<16xi32>
    %add3A_72 = arith.addi %get3A_70, %add3A_71 : vector<16xi32>
    %swap3A_73 = arith.constant 0 : i32
    %swap3A_74 = arith.index_cast %swap3A_73 : i32 to index
    %swap3A_75 = arith.constant 16 : index
    %swap3A_76 = tpu.vector_load %arg5[%swap3A_74, %swap3A_75] {strides = array<i32>} : memref<7x112xi32, #tpu.memory_space<vmem>>, vector<1x16xi32>,
    %swap3A_77 = vector.shape_cast %swap3A_76 : vector<1x16xi32> to vector<16xi32>
    %swap3A_78 = vector.shape_cast %add3A_72 : vector<16xi32> to vector<1x16xi32>
    tpu.vector_store %arg5[%swap3A_74, %swap3A_75], %swap3A_78 {strides = array<i32>} : memref<7x112xi32, #tpu.memory_space<vmem>>, vector<1x16xi32>,
    %get3A_79 = arith.constant 0 : i32
    %get3A_80 = arith.index_cast %get3A_79 : i32 to index
    %get3A_81 = arith.constant 32 : index
    %get3A_82 = tpu.vector_load %arg5[%get3A_80, %get3A_81] {strides = array<i32>} : memref<7x112xi32, #tpu.memory_space<vmem>>, vector<1x16xi32>,
    %get3A_83 = vector.shape_cast %get3A_82 : vector<1x16xi32> to vector<16xi32>
    %add3A_84 = vector.broadcast %mul3A_54 : i32 to vector<16xi32>
    %add3A_85 = arith.addi %get3A_83, %add3A_84 : vector<16xi32>
    %swap3A_86 = arith.constant 0 : i32
    %swap3A_87 = arith.index_cast %swap3A_86 : i32 to index
    %swap3A_88 = arith.constant 32 : index
    %swap3A_89 = tpu.vector_load %arg5[%swap3A_87, %swap3A_88] {strides = array<i32>} : memref<7x112xi32, #tpu.memory_space<vmem>>, vector<1x16xi32>,
    %swap3A_90 = vector.shape_cast %swap3A_89 : vector<1x16xi32> to vector<16xi32>
    %swap3A_91 = vector.shape_cast %add3A_85 : vector<16xi32> to vector<1x16xi32>
    tpu.vector_store %arg5[%swap3A_87, %swap3A_88], %swap3A_91 {strides = array<i32>} : memref<7x112xi32, #tpu.memory_space<vmem>>, vector<1x16xi32>,
    %get3A_92 = arith.constant 0 : i32
    %get3A_93 = arith.index_cast %get3A_92 : i32 to index
    %get3A_94 = arith.constant 48 : index
    %get3A_95 = tpu.vector_load %arg5[%get3A_93, %get3A_94] {strides = array<i32>} : memref<7x112xi32, #tpu.memory_space<vmem>>, vector<1x16xi32>,
    %get3A_96 = vector.shape_cast %get3A_95 : vector<1x16xi32> to vector<16xi32>
    %add3A_97 = vector.broadcast %mul3A_54 : i32 to vector<16xi32>
    %add3A_98 = arith.addi %get3A_96, %add3A_97 : vector<16xi32>
    %swap3A_99 = arith.constant 0 : i32
    %swap3A_100 = arith.index_cast %swap3A_99 : i32 to index
    %swap3A_101 = arith.constant 48 : index
    %swap3A_102 = tpu.vector_load %arg5[%swap3A_100, %swap3A_101] {strides = array<i32>} : memref<7x112xi32, #tpu.memory_space<vmem>>, vector<1x16xi32>,
    %swap3A_103 = vector.shape_cast %swap3A_102 : vector<1x16xi32> to vector<16xi32>
    %swap3A_104 = vector.shape_cast %add3A_98 : vector<16xi32> to vector<1x16xi32>
    tpu.vector_store %arg5[%swap3A_100, %swap3A_101], %swap3A_104 {strides = array<i32>} : memref<7x112xi32, #tpu.memory_space<vmem>>, vector<1x16xi32>,
    %get3A_105 = arith.constant 0 : i32
    %get3A_106 = arith.index_cast %get3A_105 : i32 to index
    %get3A_107 = arith.constant 64 : index
    %get3A_108 = tpu.vector_load %arg5[%get3A_106, %get3A_107] {strides = array<i32>} : memref<7x112xi32, #tpu.memory_space<vmem>>, vector<1x16xi32>,
    %get3A_109 = vector.shape_cast %get3A_108 : vector<1x16xi32> to vector<16xi32>
    %add3A_110 = vector.broadcast %mul3A_54 : i32 to vector<16xi32>
    %add3A_111 = arith.addi %get3A_109, %add3A_110 : vector<16xi32>
    %swap3A_112 = arith.constant 0 : i32
    %swap3A_113 = arith.index_cast %swap3A_112 : i32 to index
    %swap3A_114 = arith.constant 64 : index
    %swap3A_115 = tpu.vector_load %arg5[%swap3A_113, %swap3A_114] {strides = array<i32>} : memref<7x112xi32, #tpu.memory_space<vmem>>, vector<1x16xi32>,
    %swap3A_116 = vector.shape_cast %swap3A_115 : vector<1x16xi32> to vector<16xi32>
    %swap3A_117 = vector.shape_cast %add3A_111 : vector<16xi32> to vector<1x16xi32>
    tpu.vector_store %arg5[%swap3A_113, %swap3A_114], %swap3A_117 {strides = array<i32>} : memref<7x112xi32, #tpu.memory_space<vmem>>, vector<1x16xi32>,
    %get3A_118 = arith.constant 0 : i32
    %get3A_119 = arith.index_cast %get3A_118 : i32 to index
    %get3A_120 = arith.constant 80 : index
    %get3A_121 = tpu.vector_load %arg5[%get3A_119, %get3A_120] {strides = array<i32>} : memref<7x112xi32, #tpu.memory_space<vmem>>, vector<1x16xi32>,
    %get3A_122 = vector.shape_cast %get3A_121 : vector<1x16xi32> to vector<16xi32>
    %add3A_123 = vector.broadcast %mul3A_54 : i32 to vector<16xi32>
    %add3A_124 = arith.addi %get3A_122, %add3A_123 : vector<16xi32>
    %swap3A_125 = arith.constant 0 : i32
    %swap3A_126 = arith.index_cast %swap3A_125 : i32 to index
    %swap3A_127 = arith.constant 80 : index
    %swap3A_128 = tpu.vector_load %arg5[%swap3A_126, %swap3A_127] {strides = array<i32>} : memref<7x112xi32, #tpu.memory_space<vmem>>, vector<1x16xi32>,
    %swap3A_129 = vector.shape_cast %swap3A_128 : vector<1x16xi32> to vector<16xi32>
    %swap3A_130 = vector.shape_cast %add3A_124 : vector<16xi32> to vector<1x16xi32>
    tpu.vector_store %arg5[%swap3A_126, %swap3A_127], %swap3A_130 {strides = array<i32>} : memref<7x112xi32, #tpu.memory_space<vmem>>, vector<1x16xi32>,
    %get3A_131 = arith.constant 0 : i32
    %get3A_132 = arith.index_cast %get3A_131 : i32 to index
    %get3A_133 = arith.constant 96 : index
    %get3A_134 = tpu.vector_load %arg5[%get3A_132, %get3A_133] {strides = array<i32>} : memref<7x112xi32, #tpu.memory_space<vmem>>, vector<1x16xi32>,
    %get3A_135 = vector.shape_cast %get3A_134 : vector<1x16xi32> to vector<16xi32>
    %add3A_136 = vector.broadcast %mul3A_54 : i32 to vector<16xi32>
    %add3A_137 = arith.addi %get3A_135, %add3A_136 : vector<16xi32>
    %swap3A_138 = arith.constant 0 : i32
    %swap3A_139 = arith.index_cast %swap3A_138 : i32 to index
    %swap3A_140 = arith.constant 96 : index
    %swap3A_141 = tpu.vector_load %arg5[%swap3A_139, %swap3A_140] {strides = array<i32>} : memref<7x112xi32, #tpu.memory_space<vmem>>, vector<1x16xi32>,
    %swap3A_142 = vector.shape_cast %swap3A_141 : vector<1x16xi32> to vector<16xi32>
    %swap3A_143 = vector.shape_cast %add3A_137 : vector<16xi32> to vector<1x16xi32>
    tpu.vector_store %arg5[%swap3A_139, %swap3A_140], %swap3A_143 {strides = array<i32>} : memref<7x112xi32, #tpu.memory_space<vmem>>, vector<1x16xi32>,
    %get3A_144 = arith.constant 1 : i32
    %get3A_145 = arith.index_cast %get3A_144 : i32 to index
    %get3A_146 = arith.constant 0 : index
    %get3A_147 = tpu.vector_load %arg5[%get3A_145, %get3A_146] {strides = array<i32>} : memref<7x112xi32, #tpu.memory_space<vmem>>, vector<1x16xi32>,
    %get3A_148 = vector.shape_cast %get3A_147 : vector<1x16xi32> to vector<16xi32>
    %add3A_149 = vector.broadcast %mul3A_54 : i32 to vector<16xi32>
    %add3A_150 = arith.addi %get3A_148, %add3A_149 : vector<16xi32>
    %swap3A_151 = arith.constant 1 : i32
    %swap3A_152 = arith.index_cast %swap3A_151 : i32 to index
    %swap3A_153 = arith.constant 0 : index
    %swap3A_154 = tpu.vector_load %arg5[%swap3A_152, %swap3A_153] {strides = array<i32>} : memref<7x112xi32, #tpu.memory_space<vmem>>, vector<1x16xi32>,
    %swap3A_155 = vector.shape_cast %swap3A_154 : vector<1x16xi32> to vector<16xi32>
    %swap3A_156 = vector.shape_cast %add3A_150 : vector<16xi32> to vector<1x16xi32>
    tpu.vector_store %arg5[%swap3A_152, %swap3A_153], %swap3A_156 {strides = array<i32>} : memref<7x112xi32, #tpu.memory_space<vmem>>, vector<1x16xi32>,
    %get3A_157 = arith.constant 1 : i32
    %get3A_158 = arith.index_cast %get3A_157 : i32 to index
    %get3A_159 = arith.constant 16 : index
    %get3A_160 = tpu.vector_load %arg5[%get3A_158, %get3A_159] {strides = array<i32>} : memref<7x112xi32, #tpu.memory_space<vmem>>, vector<1x16xi32>,
    %get3A_161 = vector.shape_cast %get3A_160 : vector<1x16xi32> to vector<16xi32>
    %add3A_162 = vector.broadcast %mul3A_54 : i32 to vector<16xi32>
    %add3A_163 = arith.addi %get3A_161, %add3A_162 : vector<16xi32>
    %swap3A_164 = arith.constant 1 : i32
    %swap3A_165 = arith.index_cast %swap3A_164 : i32 to index
    %swap3A_166 = arith.constant 16 : index
    %swap3A_167 = tpu.vector_load %arg5[%swap3A_165, %swap3A_166] {strides = array<i32>} : memref<7x112xi32, #tpu.memory_space<vmem>>, vector<1x16xi32>,
    %swap3A_168 = vector.shape_cast %swap3A_167 : vector<1x16xi32> to vector<16xi32>
    %swap3A_169 = vector.shape_cast %add3A_163 : vector<16xi32> to vector<1x16xi32>
    tpu.vector_store %arg5[%swap3A_165, %swap3A_166], %swap3A_169 {strides = array<i32>} : memref<7x112xi32, #tpu.memory_space<vmem>>, vector<1x16xi32>,
    %get3A_170 = arith.constant 1 : i32
    %get3A_171 = arith.index_cast %get3A_170 : i32 to index
    %get3A_172 = arith.constant 32 : index
    %get3A_173 = tpu.vector_load %arg5[%get3A_171, %get3A_172] {strides = array<i32>} : memref<7x112xi32, #tpu.memory_space<vmem>>, vector<1x16xi32>,
    %get3A_174 = vector.shape_cast %get3A_173 : vector<1x16xi32> to vector<16xi32>
    %add3A_175 = vector.broadcast %mul3A_54 : i32 to vector<16xi32>
    %add3A_176 = arith.addi %get3A_174, %add3A_175 : vector<16xi32>
    %swap3A_177 = arith.constant 1 : i32
    %swap3A_178 = arith.index_cast %swap3A_177 : i32 to index
    %swap3A_179 = arith.constant 32 : index
    %swap3A_180 = tpu.vector_load %arg5[%swap3A_178, %swap3A_179] {strides = array<i32>} : memref<7x112xi32, #tpu.memory_space<vmem>>, vector<1x16xi32>,
    %swap3A_181 = vector.shape_cast %swap3A_180 : vector<1x16xi32> to vector<16xi32>
    %swap3A_182 = vector.shape_cast %add3A_176 : vector<16xi32> to vector<1x16xi32>
    tpu.vector_store %arg5[%swap3A_178, %swap3A_179], %swap3A_182 {strides = array<i32>} : memref<7x112xi32, #tpu.memory_space<vmem>>, vector<1x16xi32>,
    %get3A_183 = arith.constant 1 : i32
    %get3A_184 = arith.index_cast %get3A_183 : i32 to index
    %get3A_185 = arith.constant 48 : index
    %get3A_186 = tpu.vector_load %arg5[%get3A_184, %get3A_185] {strides = array<i32>} : memref<7x112xi32, #tpu.memory_space<vmem>>, vector<1x16xi32>,
    %get3A_187 = vector.shape_cast %get3A_186 : vector<1x16xi32> to vector<16xi32>
    %add3A_188 = vector.broadcast %mul3A_54 : i32 to vector<16xi32>
    %add3A_189 = arith.addi %get3A_187, %add3A_188 : vector<16xi32>
    %swap3A_190 = arith.constant 1 : i32
    %swap3A_191 = arith.index_cast %swap3A_190 : i32 to index
    %swap3A_192 = arith.constant 48 : index
    %swap3A_193 = tpu.vector_load %arg5[%swap3A_191, %swap3A_192] {strides = array<i32>} : memref<7x112xi32, #tpu.memory_space<vmem>>, vector<1x16xi32>,
    %swap3A_194 = vector.shape_cast %swap3A_193 : vector<1x16xi32> to vector<16xi32>
    %swap3A_195 = vector.shape_cast %add3A_189 : vector<16xi32> to vector<1x16xi32>
    tpu.vector_store %arg5[%swap3A_191, %swap3A_192], %swap3A_195 {strides = array<i32>} : memref<7x112xi32, #tpu.memory_space<vmem>>, vector<1x16xi32>,
    %get3A_196 = arith.constant 1 : i32
    %get3A_197 = arith.index_cast %get3A_196 : i32 to index
    %get3A_198 = arith.constant 64 : index
    %get3A_199 = tpu.vector_load %arg5[%get3A_197, %get3A_198] {strides = array<i32>} : memref<7x112xi32, #tpu.memory_space<vmem>>, vector<1x16xi32>,
    %get3A_200 = vector.shape_cast %get3A_199 : vector<1x16xi32> to vector<16xi32>
    %add3A_201 = vector.broadcast %mul3A_54 : i32 to vector<16xi32>
    %add3A_202 = arith.addi %get3A_200, %add3A_201 : vector<16xi32>
    %swap3A_203 = arith.constant 1 : i32
    %swap3A_204 = arith.index_cast %swap3A_203 : i32 to index
    %swap3A_205 = arith.constant 64 : index
    %swap3A_206 = tpu.vector_load %arg5[%swap3A_204, %swap3A_205] {strides = array<i32>} : memref<7x112xi32, #tpu.memory_space<vmem>>, vector<1x16xi32>,
    %swap3A_207 = vector.shape_cast %swap3A_206 : vector<1x16xi32> to vector<16xi32>
    %swap3A_208 = vector.shape_cast %add3A_202 : vector<16xi32> to vector<1x16xi32>
    tpu.vector_store %arg5[%swap3A_204, %swap3A_205], %swap3A_208 {strides = array<i32>} : memref<7x112xi32, #tpu.memory_space<vmem>>, vector<1x16xi32>,
    %get3A_209 = arith.constant 1 : i32
    %get3A_210 = arith.index_cast %get3A_209 : i32 to index
    %get3A_211 = arith.constant 80 : index
    %get3A_212 = tpu.vector_load %arg5[%get3A_210, %get3A_211] {strides = array<i32>} : memref<7x112xi32, #tpu.memory_space<vmem>>, vector<1x16xi32>,
    %get3A_213 = vector.shape_cast %get3A_212 : vector<1x16xi32> to vector<16xi32>
    %add3A_214 = vector.broadcast %mul3A_54 : i32 to vector<16xi32>
    %add3A_215 = arith.addi %get3A_213, %add3A_214 : vector<16xi32>
    %swap3A_216 = arith.constant 1 : i32
    %swap3A_217 = arith.index_cast %swap3A_216 : i32 to index
    %swap3A_218 = arith.constant 80 : index
    %swap3A_219 = tpu.vector_load %arg5[%swap3A_217, %swap3A_218] {strides = array<i32>} : memref<7x112xi32, #tpu.memory_space<vmem>>, vector<1x16xi32>,
    %swap3A_220 = vector.shape_cast %swap3A_219 : vector<1x16xi32> to vector<16xi32>
    %swap3A_221 = vector.shape_cast %add3A_215 : vector<16xi32> to vector<1x16xi32>
    tpu.vector_store %arg5[%swap3A_217, %swap3A_218], %swap3A_221 {strides = array<i32>} : memref<7x112xi32, #tpu.memory_space<vmem>>, vector<1x16xi32>,
    %get3A_222 = arith.constant 1 : i32
    %get3A_223 = arith.index_cast %get3A_222 : i32 to index
    %get3A_224 = arith.constant 96 : index
    %get3A_225 = tpu.vector_load %arg5[%get3A_223, %get3A_224] {strides = array<i32>} : memref<7x112xi32, #tpu.memory_space<vmem>>, vector<1x16xi32>,
    %get3A_226 = vector.shape_cast %get3A_225 : vector<1x16xi32> to vector<16xi32>
    %add3A_227 = vector.broadcast %mul3A_54 : i32 to vector<16xi32>
    %add3A_228 = arith.addi %get3A_226, %add3A_227 : vector<16xi32>
    %swap3A_229 = arith.constant 1 : i32
    %swap3A_230 = arith.index_cast %swap3A_229 : i32 to index
    %swap3A_231 = arith.constant 96 : index
    %swap3A_232 = tpu.vector_load %arg5[%swap3A_230, %swap3A_231] {strides = array<i32>} : memref<7x112xi32, #tpu.memory_space<vmem>>, vector<1x16xi32>,
    %swap3A_233 = vector.shape_cast %swap3A_232 : vector<1x16xi32> to vector<16xi32>
    %swap3A_234 = vector.shape_cast %add3A_228 : vector<16xi32> to vector<1x16xi32>
    tpu.vector_store %arg5[%swap3A_230, %swap3A_231], %swap3A_234 {strides = array<i32>} : memref<7x112xi32, #tpu.memory_space<vmem>>, vector<1x16xi32>,
    %get3A_235 = arith.constant 2 : i32
    %get3A_236 = arith.index_cast %get3A_235 : i32 to index
    %get3A_237 = arith.constant 0 : index
    %get3A_238 = tpu.vector_load %arg5[%get3A_236, %get3A_237] {strides = array<i32>} : memref<7x112xi32, #tpu.memory_space<vmem>>, vector<1x16xi32>,
    %get3A_239 = vector.shape_cast %get3A_238 : vector<1x16xi32> to vector<16xi32>
    %add3A_240 = vector.broadcast %mul3A_54 : i32 to vector<16xi32>
    %add3A_241 = arith.addi %get3A_239, %add3A_240 : vector<16xi32>
    %swap3A_242 = arith.constant 2 : i32
    %swap3A_243 = arith.index_cast %swap3A_242 : i32 to index
    %swap3A_244 = arith.constant 0 : index
    %swap3A_245 = tpu.vector_load %arg5[%swap3A_243, %swap3A_244] {strides = array<i32>} : memref<7x112xi32, #tpu.memory_space<vmem>>, vector<1x16xi32>,
    %swap3A_246 = vector.shape_cast %swap3A_245 : vector<1x16xi32> to vector<16xi32>
    %swap3A_247 = vector.shape_cast %add3A_241 : vector<16xi32> to vector<1x16xi32>
    tpu.vector_store %arg5[%swap3A_243, %swap3A_244], %swap3A_247 {strides = array<i32>} : memref<7x112xi32, #tpu.memory_space<vmem>>, vector<1x16xi32>,
    %get3A_248 = arith.constant 2 : i32
    %get3A_249 = arith.index_cast %get3A_248 : i32 to index
    %get3A_250 = arith.constant 16 : index
    %get3A_251 = tpu.vector_load %arg5[%get3A_249, %get3A_250] {strides = array<i32>} : memref<7x112xi32, #tpu.memory_space<vmem>>, vector<1x16xi32>,
    %get3A_252 = vector.shape_cast %get3A_251 : vector<1x16xi32> to vector<16xi32>
    %add3A_253 = vector.broadcast %mul3A_54 : i32 to vector<16xi32>
    %add3A_254 = arith.addi %get3A_252, %add3A_253 : vector<16xi32>
    %swap3A_255 = arith.constant 2 : i32
    %swap3A_256 = arith.index_cast %swap3A_255 : i32 to index
    %swap3A_257 = arith.constant 16 : index
    %swap3A_258 = tpu.vector_load %arg5[%swap3A_256, %swap3A_257] {strides = array<i32>} : memref<7x112xi32, #tpu.memory_space<vmem>>, vector<1x16xi32>,
    %swap3A_259 = vector.shape_cast %swap3A_258 : vector<1x16xi32> to vector<16xi32>
    %swap3A_260 = vector.shape_cast %add3A_254 : vector<16xi32> to vector<1x16xi32>
    tpu.vector_store %arg5[%swap3A_256, %swap3A_257], %swap3A_260 {strides = array<i32>} : memref<7x112xi32, #tpu.memory_space<vmem>>, vector<1x16xi32>,
    %get3A_261 = arith.constant 2 : i32
    %get3A_262 = arith.index_cast %get3A_261 : i32 to index
    %get3A_263 = arith.constant 32 : index
    %get3A_264 = tpu.vector_load %arg5[%get3A_262, %get3A_263] {strides = array<i32>} : memref<7x112xi32, #tpu.memory_space<vmem>>, vector<1x16xi32>,
    %get3A_265 = vector.shape_cast %get3A_264 : vector<1x16xi32> to vector<16xi32>
    %add3A_266 = vector.broadcast %mul3A_54 : i32 to vector<16xi32>
    %add3A_267 = arith.addi %get3A_265, %add3A_266 : vector<16xi32>
    %swap3A_268 = arith.constant 2 : i32
    %swap3A_269 = arith.index_cast %swap3A_268 : i32 to index
    %swap3A_270 = arith.constant 32 : index
    %swap3A_271 = tpu.vector_load %arg5[%swap3A_269, %swap3A_270] {strides = array<i32>} : memref<7x112xi32, #tpu.memory_space<vmem>>, vector<1x16xi32>,
    %swap3A_272 = vector.shape_cast %swap3A_271 : vector<1x16xi32> to vector<16xi32>
    %swap3A_273 = vector.shape_cast %add3A_267 : vector<16xi32> to vector<1x16xi32>
    tpu.vector_store %arg5[%swap3A_269, %swap3A_270], %swap3A_273 {strides = array<i32>} : memref<7x112xi32, #tpu.memory_space<vmem>>, vector<1x16xi32>,
    %get3A_274 = arith.constant 2 : i32
    %get3A_275 = arith.index_cast %get3A_274 : i32 to index
    %get3A_276 = arith.constant 48 : index
    %get3A_277 = tpu.vector_load %arg5[%get3A_275, %get3A_276] {strides = array<i32>} : memref<7x112xi32, #tpu.memory_space<vmem>>, vector<1x16xi32>,
    %get3A_278 = vector.shape_cast %get3A_277 : vector<1x16xi32> to vector<16xi32>
    %add3A_279 = vector.broadcast %mul3A_54 : i32 to vector<16xi32>
    %add3A_280 = arith.addi %get3A_278, %add3A_279 : vector<16xi32>
    %swap3A_281 = arith.constant 2 : i32
    %swap3A_282 = arith.index_cast %swap3A_281 : i32 to index
    %swap3A_283 = arith.constant 48 : index
    %swap3A_284 = tpu.vector_load %arg5[%swap3A_282, %swap3A_283] {strides = array<i32>} : memref<7x112xi32, #tpu.memory_space<vmem>>, vector<1x16xi32>,
    %swap3A_285 = vector.shape_cast %swap3A_284 : vector<1x16xi32> to vector<16xi32>
    %swap3A_286 = vector.shape_cast %add3A_280 : vector<16xi32> to vector<1x16xi32>
    tpu.vector_store %arg5[%swap3A_282, %swap3A_283], %swap3A_286 {strides = array<i32>} : memref<7x112xi32, #tpu.memory_space<vmem>>, vector<1x16xi32>,
    %get3A_287 = arith.constant 2 : i32
    %get3A_288 = arith.index_cast %get3A_287 : i32 to index
    %get3A_289 = arith.constant 64 : index
    %get3A_290 = tpu.vector_load %arg5[%get3A_288, %get3A_289] {strides = array<i32>} : memref<7x112xi32, #tpu.memory_space<vmem>>, vector<1x16xi32>,
    %get3A_291 = vector.shape_cast %get3A_290 : vector<1x16xi32> to vector<16xi32>
    %add3A_292 = vector.broadcast %mul3A_54 : i32 to vector<16xi32>
    %add3A_293 = arith.addi %get3A_291, %add3A_292 : vector<16xi32>
    %swap3A_294 = arith.constant 2 : i32
    %swap3A_295 = arith.index_cast %swap3A_294 : i32 to index
    %swap3A_296 = arith.constant 64 : index
    %swap3A_297 = tpu.vector_load %arg5[%swap3A_295, %swap3A_296] {strides = array<i32>} : memref<7x112xi32, #tpu.memory_space<vmem>>, vector<1x16xi32>,
    %swap3A_298 = vector.shape_cast %swap3A_297 : vector<1x16xi32> to vector<16xi32>
    %swap3A_299 = vector.shape_cast %add3A_293 : vector<16xi32> to vector<1x16xi32>
    tpu.vector_store %arg5[%swap3A_295, %swap3A_296], %swap3A_299 {strides = array<i32>} : memref<7x112xi32, #tpu.memory_space<vmem>>, vector<1x16xi32>,
    %get3A_300 = arith.constant 2 : i32
    %get3A_301 = arith.index_cast %get3A_300 : i32 to index
    %get3A_302 = arith.constant 80 : index
    %get3A_303 = tpu.vector_load %arg5[%get3A_301, %get3A_302] {strides = array<i32>} : memref<7x112xi32, #tpu.memory_space<vmem>>, vector<1x16xi32>,
    %get3A_304 = vector.shape_cast %get3A_303 : vector<1x16xi32> to vector<16xi32>
    %add3A_305 = vector.broadcast %mul3A_54 : i32 to vector<16xi32>
    %add3A_306 = arith.addi %get3A_304, %add3A_305 : vector<16xi32>
    %swap3A_307 = arith.constant 2 : i32
    %swap3A_308 = arith.index_cast %swap3A_307 : i32 to index
    %swap3A_309 = arith.constant 80 : index
    %swap3A_310 = tpu.vector_load %arg5[%swap3A_308, %swap3A_309] {strides = array<i32>} : memref<7x112xi32, #tpu.memory_space<vmem>>, vector<1x16xi32>,
    %swap3A_311 = vector.shape_cast %swap3A_310 : vector<1x16xi32> to vector<16xi32>
    %swap3A_312 = vector.shape_cast %add3A_306 : vector<16xi32> to vector<1x16xi32>
    tpu.vector_store %arg5[%swap3A_308, %swap3A_309], %swap3A_312 {strides = array<i32>} : memref<7x112xi32, #tpu.memory_space<vmem>>, vector<1x16xi32>,
    %get3A_313 = arith.constant 2 : i32
    %get3A_314 = arith.index_cast %get3A_313 : i32 to index
    %get3A_315 = arith.constant 96 : index
    %get3A_316 = tpu.vector_load %arg5[%get3A_314, %get3A_315] {strides = array<i32>} : memref<7x112xi32, #tpu.memory_space<vmem>>, vector<1x16xi32>,
    %get3A_317 = vector.shape_cast %get3A_316 : vector<1x16xi32> to vector<16xi32>
    %add3A_318 = vector.broadcast %mul3A_54 : i32 to vector<16xi32>
    %add3A_319 = arith.addi %get3A_317, %add3A_318 : vector<16xi32>
    %swap3A_320 = arith.constant 2 : i32
    %swap3A_321 = arith.index_cast %swap3A_320 : i32 to index
    %swap3A_322 = arith.constant 96 : index
    %swap3A_323 = tpu.vector_load %arg5[%swap3A_321, %swap3A_322] {strides = array<i32>} : memref<7x112xi32, #tpu.memory_space<vmem>>, vector<1x16xi32>,
    %swap3A_324 = vector.shape_cast %swap3A_323 : vector<1x16xi32> to vector<16xi32>
    %swap3A_325 = vector.shape_cast %add3A_319 : vector<16xi32> to vector<1x16xi32>
    tpu.vector_store %arg5[%swap3A_321, %swap3A_322], %swap3A_325 {strides = array<i32>} : memref<7x112xi32, #tpu.memory_space<vmem>>, vector<1x16xi32>,
    %get3A_326 = arith.constant 3 : i32
    %get3A_327 = arith.index_cast %get3A_326 : i32 to index
    %get3A_328 = arith.constant 0 : index
    %get3A_329 = tpu.vector_load %arg5[%get3A_327, %get3A_328] {strides = array<i32>} : memref<7x112xi32, #tpu.memory_space<vmem>>, vector<1x16xi32>,
    %get3A_330 = vector.shape_cast %get3A_329 : vector<1x16xi32> to vector<16xi32>
    %add3A_331 = vector.broadcast %mul3A_54 : i32 to vector<16xi32>
    %add3A_332 = arith.addi %get3A_330, %add3A_331 : vector<16xi32>
    %swap3A_333 = arith.constant 3 : i32
    %swap3A_334 = arith.index_cast %swap3A_333 : i32 to index
    %swap3A_335 = arith.constant 0 : index
    %swap3A_336 = tpu.vector_load %arg5[%swap3A_334, %swap3A_335] {strides = array<i32>} : memref<7x112xi32, #tpu.memory_space<vmem>>, vector<1x16xi32>,
    %swap3A_337 = vector.shape_cast %swap3A_336 : vector<1x16xi32> to vector<16xi32>
    %swap3A_338 = vector.shape_cast %add3A_332 : vector<16xi32> to vector<1x16xi32>
    tpu.vector_store %arg5[%swap3A_334, %swap3A_335], %swap3A_338 {strides = array<i32>} : memref<7x112xi32, #tpu.memory_space<vmem>>, vector<1x16xi32>,
    %get3A_339 = arith.constant 3 : i32
    %get3A_340 = arith.index_cast %get3A_339 : i32 to index
    %get3A_341 = arith.constant 16 : index
    %get3A_342 = tpu.vector_load %arg5[%get3A_340, %get3A_341] {strides = array<i32>} : memref<7x112xi32, #tpu.memory_space<vmem>>, vector<1x16xi32>,
    %get3A_343 = vector.shape_cast %get3A_342 : vector<1x16xi32> to vector<16xi32>
    %add3A_344 = vector.broadcast %mul3A_54 : i32 to vector<16xi32>
    %add3A_345 = arith.addi %get3A_343, %add3A_344 : vector<16xi32>
    %swap3A_346 = arith.constant 3 : i32
    %swap3A_347 = arith.index_cast %swap3A_346 : i32 to index
    %swap3A_348 = arith.constant 16 : index
    %swap3A_349 = tpu.vector_load %arg5[%swap3A_347, %swap3A_348] {strides = array<i32>} : memref<7x112xi32, #tpu.memory_space<vmem>>, vector<1x16xi32>,
    %swap3A_350 = vector.shape_cast %swap3A_349 : vector<1x16xi32> to vector<16xi32>
    %swap3A_351 = vector.shape_cast %add3A_345 : vector<16xi32> to vector<1x16xi32>
    tpu.vector_store %arg5[%swap3A_347, %swap3A_348], %swap3A_351 {strides = array<i32>} : memref<7x112xi32, #tpu.memory_space<vmem>>, vector<1x16xi32>,
    %get3A_352 = arith.constant 3 : i32
    %get3A_353 = arith.index_cast %get3A_352 : i32 to index
    %get3A_354 = arith.constant 32 : index
    %get3A_355 = tpu.vector_load %arg5[%get3A_353, %get3A_354] {strides = array<i32>} : memref<7x112xi32, #tpu.memory_space<vmem>>, vector<1x16xi32>,
    %get3A_356 = vector.shape_cast %get3A_355 : vector<1x16xi32> to vector<16xi32>
    %add3A_357 = vector.broadcast %mul3A_54 : i32 to vector<16xi32>
    %add3A_358 = arith.addi %get3A_356, %add3A_357 : vector<16xi32>
    %swap3A_359 = arith.constant 3 : i32
    %swap3A_360 = arith.index_cast %swap3A_359 : i32 to index
    %swap3A_361 = arith.constant 32 : index
    %swap3A_362 = tpu.vector_load %arg5[%swap3A_360, %swap3A_361] {strides = array<i32>} : memref<7x112xi32, #tpu.memory_space<vmem>>, vector<1x16xi32>,
    %swap3A_363 = vector.shape_cast %swap3A_362 : vector<1x16xi32> to vector<16xi32>
    %swap3A_364 = vector.shape_cast %add3A_358 : vector<16xi32> to vector<1x16xi32>
    tpu.vector_store %arg5[%swap3A_360, %swap3A_361], %swap3A_364 {strides = array<i32>} : memref<7x112xi32, #tpu.memory_space<vmem>>, vector<1x16xi32>,
    %get3A_365 = arith.constant 3 : i32
    %get3A_366 = arith.index_cast %get3A_365 : i32 to index
    %get3A_367 = arith.constant 48 : index
    %get3A_368 = tpu.vector_load %arg5[%get3A_366, %get3A_367] {strides = array<i32>} : memref<7x112xi32, #tpu.memory_space<vmem>>, vector<1x16xi32>,
    %get3A_369 = vector.shape_cast %get3A_368 : vector<1x16xi32> to vector<16xi32>
    %add3A_370 = vector.broadcast %mul3A_54 : i32 to vector<16xi32>
    %add3A_371 = arith.addi %get3A_369, %add3A_370 : vector<16xi32>
    %swap3A_372 = arith.constant 3 : i32
    %swap3A_373 = arith.index_cast %swap3A_372 : i32 to index
    %swap3A_374 = arith.constant 48 : index
    %swap3A_375 = tpu.vector_load %arg5[%swap3A_373, %swap3A_374] {strides = array<i32>} : memref<7x112xi32, #tpu.memory_space<vmem>>, vector<1x16xi32>,
    %swap3A_376 = vector.shape_cast %swap3A_375 : vector<1x16xi32> to vector<16xi32>
    %swap3A_377 = vector.shape_cast %add3A_371 : vector<16xi32> to vector<1x16xi32>
    tpu.vector_store %arg5[%swap3A_373, %swap3A_374], %swap3A_377 {strides = array<i32>} : memref<7x112xi32, #tpu.memory_space<vmem>>, vector<1x16xi32>,
    %get3A_378 = arith.constant 3 : i32
    %get3A_379 = arith.index_cast %get3A_378 : i32 to index
    %get3A_380 = arith.constant 64 : index
    %get3A_381 = tpu.vector_load %arg5[%get3A_379, %get3A_380] {strides = array<i32>} : memref<7x112xi32, #tpu.memory_space<vmem>>, vector<1x16xi32>,
    %get3A_382 = vector.shape_cast %get3A_381 : vector<1x16xi32> to vector<16xi32>
    %add3A_383 = vector.broadcast %mul3A_54 : i32 to vector<16xi32>
    %add3A_384 = arith.addi %get3A_382, %add3A_383 : vector<16xi32>
    %swap3A_385 = arith.constant 3 : i32
    %swap3A_386 = arith.index_cast %swap3A_385 : i32 to index
    %swap3A_387 = arith.constant 64 : index
    %swap3A_388 = tpu.vector_load %arg5[%swap3A_386, %swap3A_387] {strides = array<i32>} : memref<7x112xi32, #tpu.memory_space<vmem>>, vector<1x16xi32>,
    %swap3A_389 = vector.shape_cast %swap3A_388 : vector<1x16xi32> to vector<16xi32>
    %swap3A_390 = vector.shape_cast %add3A_384 : vector<16xi32> to vector<1x16xi32>
    tpu.vector_store %arg5[%swap3A_386, %swap3A_387], %swap3A_390 {strides = array<i32>} : memref<7x112xi32, #tpu.memory_space<vmem>>, vector<1x16xi32>,
    %get3A_391 = arith.constant 3 : i32
    %get3A_392 = arith.index_cast %get3A_391 : i32 to index
    %get3A_393 = arith.constant 80 : index
    %get3A_394 = tpu.vector_load %arg5[%get3A_392, %get3A_393] {strides = array<i32>} : memref<7x112xi32, #tpu.memory_space<vmem>>, vector<1x16xi32>,
    %get3A_395 = vector.shape_cast %get3A_394 : vector<1x16xi32> to vector<16xi32>
    %add3A_396 = vector.broadcast %mul3A_54 : i32 to vector<16xi32>
    %add3A_397 = arith.addi %get3A_395, %add3A_396 : vector<16xi32>
    %swap3A_398 = arith.constant 3 : i32
    %swap3A_399 = arith.index_cast %swap3A_398 : i32 to index
    %swap3A_400 = arith.constant 80 : index
    %swap3A_401 = tpu.vector_load %arg5[%swap3A_399, %swap3A_400] {strides = array<i32>} : memref<7x112xi32, #tpu.memory_space<vmem>>, vector<1x16xi32>,
    %swap3A_402 = vector.shape_cast %swap3A_401 : vector<1x16xi32> to vector<16xi32>
    %swap3A_403 = vector.shape_cast %add3A_397 : vector<16xi32> to vector<1x16xi32>
    tpu.vector_store %arg5[%swap3A_399, %swap3A_400], %swap3A_403 {strides = array<i32>} : memref<7x112xi32, #tpu.memory_space<vmem>>, vector<1x16xi32>,
    %get3A_404 = arith.constant 3 : i32
    %get3A_405 = arith.index_cast %get3A_404 : i32 to index
    %get3A_406 = arith.constant 96 : index
    %get3A_407 = tpu.vector_load %arg5[%get3A_405, %get3A_406] {strides = array<i32>} : memref<7x112xi32, #tpu.memory_space<vmem>>, vector<1x16xi32>,
    %get3A_408 = vector.shape_cast %get3A_407 : vector<1x16xi32> to vector<16xi32>
    %add3A_409 = vector.broadcast %mul3A_54 : i32 to vector<16xi32>
    %add3A_410 = arith.addi %get3A_408, %add3A_409 : vector<16xi32>
    %swap3A_411 = arith.constant 3 : i32
    %swap3A_412 = arith.index_cast %swap3A_411 : i32 to index
    %swap3A_413 = arith.constant 96 : index
    %swap3A_414 = tpu.vector_load %arg5[%swap3A_412, %swap3A_413] {strides = array<i32>} : memref<7x112xi32, #tpu.memory_space<vmem>>, vector<1x16xi32>,
    %swap3A_415 = vector.shape_cast %swap3A_414 : vector<1x16xi32> to vector<16xi32>
    %swap3A_416 = vector.shape_cast %add3A_410 : vector<16xi32> to vector<1x16xi32>
    tpu.vector_store %arg5[%swap3A_412, %swap3A_413], %swap3A_416 {strides = array<i32>} : memref<7x112xi32, #tpu.memory_space<vmem>>, vector<1x16xi32>,
    %get3A_417 = arith.constant 4 : i32
    %get3A_418 = arith.index_cast %get3A_417 : i32 to index
    %get3A_419 = arith.constant 0 : index
    %get3A_420 = tpu.vector_load %arg5[%get3A_418, %get3A_419] {strides = array<i32>} : memref<7x112xi32, #tpu.memory_space<vmem>>, vector<1x16xi32>,
    %get3A_421 = vector.shape_cast %get3A_420 : vector<1x16xi32> to vector<16xi32>
    %add3A_422 = vector.broadcast %mul3A_54 : i32 to vector<16xi32>
    %add3A_423 = arith.addi %get3A_421, %add3A_422 : vector<16xi32>
    %swap3A_424 = arith.constant 4 : i32
    %swap3A_425 = arith.index_cast %swap3A_424 : i32 to index
    %swap3A_426 = arith.constant 0 : index
    %swap3A_427 = tpu.vector_load %arg5[%swap3A_425, %swap3A_426] {strides = array<i32>} : memref<7x112xi32, #tpu.memory_space<vmem>>, vector<1x16xi32>,
    %swap3A_428 = vector.shape_cast %swap3A_427 : vector<1x16xi32> to vector<16xi32>
    %swap3A_429 = vector.shape_cast %add3A_423 : vector<16xi32> to vector<1x16xi32>
    tpu.vector_store %arg5[%swap3A_425, %swap3A_426], %swap3A_429 {strides = array<i32>} : memref<7x112xi32, #tpu.memory_space<vmem>>, vector<1x16xi32>,
    %get3A_430 = arith.constant 4 : i32
    %get3A_431 = arith.index_cast %get3A_430 : i32 to index
    %get3A_432 = arith.constant 16 : index
    %get3A_433 = tpu.vector_load %arg5[%get3A_431, %get3A_432] {strides = array<i32>} : memref<7x112xi32, #tpu.memory_space<vmem>>, vector<1x16xi32>,
    %get3A_434 = vector.shape_cast %get3A_433 : vector<1x16xi32> to vector<16xi32>
    %add3A_435 = vector.broadcast %mul3A_54 : i32 to vector<16xi32>
    %add3A_436 = arith.addi %get3A_434, %add3A_435 : vector<16xi32>
    %swap3A_437 = arith.constant 4 : i32
    %swap3A_438 = arith.index_cast %swap3A_437 : i32 to index
    %swap3A_439 = arith.constant 16 : index
    %swap3A_440 = tpu.vector_load %arg5[%swap3A_438, %swap3A_439] {strides = array<i32>} : memref<7x112xi32, #tpu.memory_space<vmem>>, vector<1x16xi32>,
    %swap3A_441 = vector.shape_cast %swap3A_440 : vector<1x16xi32> to vector<16xi32>
    %swap3A_442 = vector.shape_cast %add3A_436 : vector<16xi32> to vector<1x16xi32>
    tpu.vector_store %arg5[%swap3A_438, %swap3A_439], %swap3A_442 {strides = array<i32>} : memref<7x112xi32, #tpu.memory_space<vmem>>, vector<1x16xi32>,
    %get3A_443 = arith.constant 4 : i32
    %get3A_444 = arith.index_cast %get3A_443 : i32 to index
    %get3A_445 = arith.constant 32 : index
    %get3A_446 = tpu.vector_load %arg5[%get3A_444, %get3A_445] {strides = array<i32>} : memref<7x112xi32, #tpu.memory_space<vmem>>, vector<1x16xi32>,
    %get3A_447 = vector.shape_cast %get3A_446 : vector<1x16xi32> to vector<16xi32>
    %add3A_448 = vector.broadcast %mul3A_54 : i32 to vector<16xi32>
    %add3A_449 = arith.addi %get3A_447, %add3A_448 : vector<16xi32>
    %swap3A_450 = arith.constant 4 : i32
    %swap3A_451 = arith.index_cast %swap3A_450 : i32 to index
    %swap3A_452 = arith.constant 32 : index
    %swap3A_453 = tpu.vector_load %arg5[%swap3A_451, %swap3A_452] {strides = array<i32>} : memref<7x112xi32, #tpu.memory_space<vmem>>, vector<1x16xi32>,
    %swap3A_454 = vector.shape_cast %swap3A_453 : vector<1x16xi32> to vector<16xi32>
    %swap3A_455 = vector.shape_cast %add3A_449 : vector<16xi32> to vector<1x16xi32>
    tpu.vector_store %arg5[%swap3A_451, %swap3A_452], %swap3A_455 {strides = array<i32>} : memref<7x112xi32, #tpu.memory_space<vmem>>, vector<1x16xi32>,
    %get3A_456 = arith.constant 4 : i32
    %get3A_457 = arith.index_cast %get3A_456 : i32 to index
    %get3A_458 = arith.constant 48 : index
    %get3A_459 = tpu.vector_load %arg5[%get3A_457, %get3A_458] {strides = array<i32>} : memref<7x112xi32, #tpu.memory_space<vmem>>, vector<1x16xi32>,
    %get3A_460 = vector.shape_cast %get3A_459 : vector<1x16xi32> to vector<16xi32>
    %add3A_461 = vector.broadcast %mul3A_54 : i32 to vector<16xi32>
    %add3A_462 = arith.addi %get3A_460, %add3A_461 : vector<16xi32>
    %swap3A_463 = arith.constant 4 : i32
    %swap3A_464 = arith.index_cast %swap3A_463 : i32 to index
    %swap3A_465 = arith.constant 48 : index
    %swap3A_466 = tpu.vector_load %arg5[%swap3A_464, %swap3A_465] {strides = array<i32>} : memref<7x112xi32, #tpu.memory_space<vmem>>, vector<1x16xi32>,
    %swap3A_467 = vector.shape_cast %swap3A_466 : vector<1x16xi32> to vector<16xi32>
    %swap3A_468 = vector.shape_cast %add3A_462 : vector<16xi32> to vector<1x16xi32>
    tpu.vector_store %arg5[%swap3A_464, %swap3A_465], %swap3A_468 {strides = array<i32>} : memref<7x112xi32, #tpu.memory_space<vmem>>, vector<1x16xi32>,
    %get3A_469 = arith.constant 4 : i32
    %get3A_470 = arith.index_cast %get3A_469 : i32 to index
    %get3A_471 = arith.constant 64 : index
    %get3A_472 = tpu.vector_load %arg5[%get3A_470, %get3A_471] {strides = array<i32>} : memref<7x112xi32, #tpu.memory_space<vmem>>, vector<1x16xi32>,
    %get3A_473 = vector.shape_cast %get3A_472 : vector<1x16xi32> to vector<16xi32>
    %add3A_474 = vector.broadcast %mul3A_54 : i32 to vector<16xi32>
    %add3A_475 = arith.addi %get3A_473, %add3A_474 : vector<16xi32>
    %swap3A_476 = arith.constant 4 : i32
    %swap3A_477 = arith.index_cast %swap3A_476 : i32 to index
    %swap3A_478 = arith.constant 64 : index
    %swap3A_479 = tpu.vector_load %arg5[%swap3A_477, %swap3A_478] {strides = array<i32>} : memref<7x112xi32, #tpu.memory_space<vmem>>, vector<1x16xi32>,
    %swap3A_480 = vector.shape_cast %swap3A_479 : vector<1x16xi32> to vector<16xi32>
    %swap3A_481 = vector.shape_cast %add3A_475 : vector<16xi32> to vector<1x16xi32>
    tpu.vector_store %arg5[%swap3A_477, %swap3A_478], %swap3A_481 {strides = array<i32>} : memref<7x112xi32, #tpu.memory_space<vmem>>, vector<1x16xi32>,
    %get3A_482 = arith.constant 4 : i32
    %get3A_483 = arith.index_cast %get3A_482 : i32 to index
    %get3A_484 = arith.constant 80 : index
    %get3A_485 = tpu.vector_load %arg5[%get3A_483, %get3A_484] {strides = array<i32>} : memref<7x112xi32, #tpu.memory_space<vmem>>, vector<1x16xi32>,
    %get3A_486 = vector.shape_cast %get3A_485 : vector<1x16xi32> to vector<16xi32>
    %add3A_487 = vector.broadcast %mul3A_54 : i32 to vector<16xi32>
    %add3A_488 = arith.addi %get3A_486, %add3A_487 : vector<16xi32>
    %swap3A_489 = arith.constant 4 : i32
    %swap3A_490 = arith.index_cast %swap3A_489 : i32 to index
    %swap3A_491 = arith.constant 80 : index
    %swap3A_492 = tpu.vector_load %arg5[%swap3A_490, %swap3A_491] {strides = array<i32>} : memref<7x112xi32, #tpu.memory_space<vmem>>, vector<1x16xi32>,
    %swap3A_493 = vector.shape_cast %swap3A_492 : vector<1x16xi32> to vector<16xi32>
    %swap3A_494 = vector.shape_cast %add3A_488 : vector<16xi32> to vector<1x16xi32>
    tpu.vector_store %arg5[%swap3A_490, %swap3A_491], %swap3A_494 {strides = array<i32>} : memref<7x112xi32, #tpu.memory_space<vmem>>, vector<1x16xi32>,
    %get3A_495 = arith.constant 4 : i32
    %get3A_496 = arith.index_cast %get3A_495 : i32 to index
    %get3A_497 = arith.constant 96 : index
    %get3A_498 = tpu.vector_load %arg5[%get3A_496, %get3A_497] {strides = array<i32>} : memref<7x112xi32, #tpu.memory_space<vmem>>, vector<1x16xi32>,
    %get3A_499 = vector.shape_cast %get3A_498 : vector<1x16xi32> to vector<16xi32>
    %add3A_500 = vector.broadcast %mul3A_54 : i32 to vector<16xi32>
    %add3A_501 = arith.addi %get3A_499, %add3A_500 : vector<16xi32>
    %swap3A_502 = arith.constant 4 : i32
    %swap3A_503 = arith.index_cast %swap3A_502 : i32 to index
    %swap3A_504 = arith.constant 96 : index
    %swap3A_505 = tpu.vector_load %arg5[%swap3A_503, %swap3A_504] {strides = array<i32>} : memref<7x112xi32, #tpu.memory_space<vmem>>, vector<1x16xi32>,
    %swap3A_506 = vector.shape_cast %swap3A_505 : vector<1x16xi32> to vector<16xi32>
    %swap3A_507 = vector.shape_cast %add3A_501 : vector<16xi32> to vector<1x16xi32>
    tpu.vector_store %arg5[%swap3A_503, %swap3A_504], %swap3A_507 {strides = array<i32>} : memref<7x112xi32, #tpu.memory_space<vmem>>, vector<1x16xi32>,
    %get3A_508 = arith.constant 5 : i32
    %get3A_509 = arith.index_cast %get3A_508 : i32 to index
    %get3A_510 = arith.constant 0 : index
    %get3A_511 = tpu.vector_load %arg5[%get3A_509, %get3A_510] {strides = array<i32>} : memref<7x112xi32, #tpu.memory_space<vmem>>, vector<1x16xi32>,
    %get3A_512 = vector.shape_cast %get3A_511 : vector<1x16xi32> to vector<16xi32>
    %add3A_513 = vector.broadcast %mul3A_54 : i32 to vector<16xi32>
    %add3A_514 = arith.addi %get3A_512, %add3A_513 : vector<16xi32>
    %swap3A_515 = arith.constant 5 : i32
    %swap3A_516 = arith.index_cast %swap3A_515 : i32 to index
    %swap3A_517 = arith.constant 0 : index
    %swap3A_518 = tpu.vector_load %arg5[%swap3A_516, %swap3A_517] {strides = array<i32>} : memref<7x112xi32, #tpu.memory_space<vmem>>, vector<1x16xi32>,
    %swap3A_519 = vector.shape_cast %swap3A_518 : vector<1x16xi32> to vector<16xi32>
    %swap3A_520 = vector.shape_cast %add3A_514 : vector<16xi32> to vector<1x16xi32>
    tpu.vector_store %arg5[%swap3A_516, %swap3A_517], %swap3A_520 {strides = array<i32>} : memref<7x112xi32, #tpu.memory_space<vmem>>, vector<1x16xi32>,
    %get3A_521 = arith.constant 5 : i32
    %get3A_522 = arith.index_cast %get3A_521 : i32 to index
    %get3A_523 = arith.constant 16 : index
    %get3A_524 = tpu.vector_load %arg5[%get3A_522, %get3A_523] {strides = array<i32>} : memref<7x112xi32, #tpu.memory_space<vmem>>, vector<1x16xi32>,
    %get3A_525 = vector.shape_cast %get3A_524 : vector<1x16xi32> to vector<16xi32>
    %add3A_526 = vector.broadcast %mul3A_54 : i32 to vector<16xi32>
    %add3A_527 = arith.addi %get3A_525, %add3A_526 : vector<16xi32>
    %swap3A_528 = arith.constant 5 : i32
    %swap3A_529 = arith.index_cast %swap3A_528 : i32 to index
    %swap3A_530 = arith.constant 16 : index
    %swap3A_531 = tpu.vector_load %arg5[%swap3A_529, %swap3A_530] {strides = array<i32>} : memref<7x112xi32, #tpu.memory_space<vmem>>, vector<1x16xi32>,
    %swap3A_532 = vector.shape_cast %swap3A_531 : vector<1x16xi32> to vector<16xi32>
    %swap3A_533 = vector.shape_cast %add3A_527 : vector<16xi32> to vector<1x16xi32>
    tpu.vector_store %arg5[%swap3A_529, %swap3A_530], %swap3A_533 {strides = array<i32>} : memref<7x112xi32, #tpu.memory_space<vmem>>, vector<1x16xi32>,
    %get3A_534 = arith.constant 5 : i32
    %get3A_535 = arith.index_cast %get3A_534 : i32 to index
    %get3A_536 = arith.constant 32 : index
    %get3A_537 = tpu.vector_load %arg5[%get3A_535, %get3A_536] {strides = array<i32>} : memref<7x112xi32, #tpu.memory_space<vmem>>, vector<1x16xi32>,
    %get3A_538 = vector.shape_cast %get3A_537 : vector<1x16xi32> to vector<16xi32>
    %add3A_539 = vector.broadcast %mul3A_54 : i32 to vector<16xi32>
    %add3A_540 = arith.addi %get3A_538, %add3A_539 : vector<16xi32>
    %swap3A_541 = arith.constant 5 : i32
    %swap3A_542 = arith.index_cast %swap3A_541 : i32 to index
    %swap3A_543 = arith.constant 32 : index
    %swap3A_544 = tpu.vector_load %arg5[%swap3A_542, %swap3A_543] {strides = array<i32>} : memref<7x112xi32, #tpu.memory_space<vmem>>, vector<1x16xi32>,
    %swap3A_545 = vector.shape_cast %swap3A_544 : vector<1x16xi32> to vector<16xi32>
    %swap3A_546 = vector.shape_cast %add3A_540 : vector<16xi32> to vector<1x16xi32>
    tpu.vector_store %arg5[%swap3A_542, %swap3A_543], %swap3A_546 {strides = array<i32>} : memref<7x112xi32, #tpu.memory_space<vmem>>, vector<1x16xi32>,
    %get3A_547 = arith.constant 5 : i32
    %get3A_548 = arith.index_cast %get3A_547 : i32 to index
    %get3A_549 = arith.constant 48 : index
    %get3A_550 = tpu.vector_load %arg5[%get3A_548, %get3A_549] {strides = array<i32>} : memref<7x112xi32, #tpu.memory_space<vmem>>, vector<1x16xi32>,
    %get3A_551 = vector.shape_cast %get3A_550 : vector<1x16xi32> to vector<16xi32>
    %add3A_552 = vector.broadcast %mul3A_54 : i32 to vector<16xi32>
    %add3A_553 = arith.addi %get3A_551, %add3A_552 : vector<16xi32>
    %swap3A_554 = arith.constant 5 : i32
    %swap3A_555 = arith.index_cast %swap3A_554 : i32 to index
    %swap3A_556 = arith.constant 48 : index
    %swap3A_557 = tpu.vector_load %arg5[%swap3A_555, %swap3A_556] {strides = array<i32>} : memref<7x112xi32, #tpu.memory_space<vmem>>, vector<1x16xi32>,
    %swap3A_558 = vector.shape_cast %swap3A_557 : vector<1x16xi32> to vector<16xi32>
    %swap3A_559 = vector.shape_cast %add3A_553 : vector<16xi32> to vector<1x16xi32>
    tpu.vector_store %arg5[%swap3A_555, %swap3A_556], %swap3A_559 {strides = array<i32>} : memref<7x112xi32, #tpu.memory_space<vmem>>, vector<1x16xi32>,
    %get3A_560 = arith.constant 5 : i32
    %get3A_561 = arith.index_cast %get3A_560 : i32 to index
    %get3A_562 = arith.constant 64 : index
    %get3A_563 = tpu.vector_load %arg5[%get3A_561, %get3A_562] {strides = array<i32>} : memref<7x112xi32, #tpu.memory_space<vmem>>, vector<1x16xi32>,
    %get3A_564 = vector.shape_cast %get3A_563 : vector<1x16xi32> to vector<16xi32>
    %add3A_565 = vector.broadcast %mul3A_54 : i32 to vector<16xi32>
    %add3A_566 = arith.addi %get3A_564, %add3A_565 : vector<16xi32>
    %swap3A_567 = arith.constant 5 : i32
    %swap3A_568 = arith.index_cast %swap3A_567 : i32 to index
    %swap3A_569 = arith.constant 64 : index
    %swap3A_570 = tpu.vector_load %arg5[%swap3A_568, %swap3A_569] {strides = array<i32>} : memref<7x112xi32, #tpu.memory_space<vmem>>, vector<1x16xi32>,
    %swap3A_571 = vector.shape_cast %swap3A_570 : vector<1x16xi32> to vector<16xi32>
    %swap3A_572 = vector.shape_cast %add3A_566 : vector<16xi32> to vector<1x16xi32>
    tpu.vector_store %arg5[%swap3A_568, %swap3A_569], %swap3A_572 {strides = array<i32>} : memref<7x112xi32, #tpu.memory_space<vmem>>, vector<1x16xi32>,
    %get3A_573 = arith.constant 5 : i32
    %get3A_574 = arith.index_cast %get3A_573 : i32 to index
    %get3A_575 = arith.constant 80 : index
    %get3A_576 = tpu.vector_load %arg5[%get3A_574, %get3A_575] {strides = array<i32>} : memref<7x112xi32, #tpu.memory_space<vmem>>, vector<1x16xi32>,
    %get3A_577 = vector.shape_cast %get3A_576 : vector<1x16xi32> to vector<16xi32>
    %add3A_578 = vector.broadcast %mul3A_54 : i32 to vector<16xi32>
    %add3A_579 = arith.addi %get3A_577, %add3A_578 : vector<16xi32>
    %swap3A_580 = arith.constant 5 : i32
    %swap3A_581 = arith.index_cast %swap3A_580 : i32 to index
    %swap3A_582 = arith.constant 80 : index
    %swap3A_583 = tpu.vector_load %arg5[%swap3A_581, %swap3A_582] {strides = array<i32>} : memref<7x112xi32, #tpu.memory_space<vmem>>, vector<1x16xi32>,
    %swap3A_584 = vector.shape_cast %swap3A_583 : vector<1x16xi32> to vector<16xi32>
    %swap3A_585 = vector.shape_cast %add3A_579 : vector<16xi32> to vector<1x16xi32>
    tpu.vector_store %arg5[%swap3A_581, %swap3A_582], %swap3A_585 {strides = array<i32>} : memref<7x112xi32, #tpu.memory_space<vmem>>, vector<1x16xi32>,
    %get3A_586 = arith.constant 5 : i32
    %get3A_587 = arith.index_cast %get3A_586 : i32 to index
    %get3A_588 = arith.constant 96 : index
    %get3A_589 = tpu.vector_load %arg5[%get3A_587, %get3A_588] {strides = array<i32>} : memref<7x112xi32, #tpu.memory_space<vmem>>, vector<1x16xi32>,
    %get3A_590 = vector.shape_cast %get3A_589 : vector<1x16xi32> to vector<16xi32>
    %add3A_591 = vector.broadcast %mul3A_54 : i32 to vector<16xi32>
    %add3A_592 = arith.addi %get3A_590, %add3A_591 : vector<16xi32>
    %swap3A_593 = arith.constant 5 : i32
    %swap3A_594 = arith.index_cast %swap3A_593 : i32 to index
    %swap3A_595 = arith.constant 96 : index
    %swap3A_596 = tpu.vector_load %arg5[%swap3A_594, %swap3A_595] {strides = array<i32>} : memref<7x112xi32, #tpu.memory_space<vmem>>, vector<1x16xi32>,
    %swap3A_597 = vector.shape_cast %swap3A_596 : vector<1x16xi32> to vector<16xi32>
    %swap3A_598 = vector.shape_cast %add3A_592 : vector<16xi32> to vector<1x16xi32>
    tpu.vector_store %arg5[%swap3A_594, %swap3A_595], %swap3A_598 {strides = array<i32>} : memref<7x112xi32, #tpu.memory_space<vmem>>, vector<1x16xi32>,
    %get3A_599 = arith.constant 6 : i32
    %get3A_600 = arith.index_cast %get3A_599 : i32 to index
    %get3A_601 = arith.constant 0 : index
    %get3A_602 = tpu.vector_load %arg5[%get3A_600, %get3A_601] {strides = array<i32>} : memref<7x112xi32, #tpu.memory_space<vmem>>, vector<1x16xi32>,
    %get3A_603 = vector.shape_cast %get3A_602 : vector<1x16xi32> to vector<16xi32>
    %add3A_604 = vector.broadcast %mul3A_54 : i32 to vector<16xi32>
    %add3A_605 = arith.addi %get3A_603, %add3A_604 : vector<16xi32>
    %swap3A_606 = arith.constant 6 : i32
    %swap3A_607 = arith.index_cast %swap3A_606 : i32 to index
    %swap3A_608 = arith.constant 0 : index
    %swap3A_609 = tpu.vector_load %arg5[%swap3A_607, %swap3A_608] {strides = array<i32>} : memref<7x112xi32, #tpu.memory_space<vmem>>, vector<1x16xi32>,
    %swap3A_610 = vector.shape_cast %swap3A_609 : vector<1x16xi32> to vector<16xi32>
    %swap3A_611 = vector.shape_cast %add3A_605 : vector<16xi32> to vector<1x16xi32>
    tpu.vector_store %arg5[%swap3A_607, %swap3A_608], %swap3A_611 {strides = array<i32>} : memref<7x112xi32, #tpu.memory_space<vmem>>, vector<1x16xi32>,
    %get3A_612 = arith.constant 6 : i32
    %get3A_613 = arith.index_cast %get3A_612 : i32 to index
    %get3A_614 = arith.constant 16 : index
    %get3A_615 = tpu.vector_load %arg5[%get3A_613, %get3A_614] {strides = array<i32>} : memref<7x112xi32, #tpu.memory_space<vmem>>, vector<1x16xi32>,
    %get3A_616 = vector.shape_cast %get3A_615 : vector<1x16xi32> to vector<16xi32>
    %add3A_617 = vector.broadcast %mul3A_54 : i32 to vector<16xi32>
    %add3A_618 = arith.addi %get3A_616, %add3A_617 : vector<16xi32>
    %swap3A_619 = arith.constant 6 : i32
    %swap3A_620 = arith.index_cast %swap3A_619 : i32 to index
    %swap3A_621 = arith.constant 16 : index
    %swap3A_622 = tpu.vector_load %arg5[%swap3A_620, %swap3A_621] {strides = array<i32>} : memref<7x112xi32, #tpu.memory_space<vmem>>, vector<1x16xi32>,
    %swap3A_623 = vector.shape_cast %swap3A_622 : vector<1x16xi32> to vector<16xi32>
    %swap3A_624 = vector.shape_cast %add3A_618 : vector<16xi32> to vector<1x16xi32>
    tpu.vector_store %arg5[%swap3A_620, %swap3A_621], %swap3A_624 {strides = array<i32>} : memref<7x112xi32, #tpu.memory_space<vmem>>, vector<1x16xi32>,
    %get3A_625 = arith.constant 6 : i32
    %get3A_626 = arith.index_cast %get3A_625 : i32 to index
    %get3A_627 = arith.constant 32 : index
    %get3A_628 = tpu.vector_load %arg5[%get3A_626, %get3A_627] {strides = array<i32>} : memref<7x112xi32, #tpu.memory_space<vmem>>, vector<1x16xi32>,
    %get3A_629 = vector.shape_cast %get3A_628 : vector<1x16xi32> to vector<16xi32>
    %add3A_630 = vector.broadcast %mul3A_54 : i32 to vector<16xi32>
    %add3A_631 = arith.addi %get3A_629, %add3A_630 : vector<16xi32>
    %swap3A_632 = arith.constant 6 : i32
    %swap3A_633 = arith.index_cast %swap3A_632 : i32 to index
    %swap3A_634 = arith.constant 32 : index
    %swap3A_635 = tpu.vector_load %arg5[%swap3A_633, %swap3A_634] {strides = array<i32>} : memref<7x112xi32, #tpu.memory_space<vmem>>, vector<1x16xi32>,
    %swap3A_636 = vector.shape_cast %swap3A_635 : vector<1x16xi32> to vector<16xi32>
    %swap3A_637 = vector.shape_cast %add3A_631 : vector<16xi32> to vector<1x16xi32>
    tpu.vector_store %arg5[%swap3A_633, %swap3A_634], %swap3A_637 {strides = array<i32>} : memref<7x112xi32, #tpu.memory_space<vmem>>, vector<1x16xi32>,
    %get3A_638 = arith.constant 6 : i32
    %get3A_639 = arith.index_cast %get3A_638 : i32 to index
    %get3A_640 = arith.constant 48 : index
    %get3A_641 = tpu.vector_load %arg5[%get3A_639, %get3A_640] {strides = array<i32>} : memref<7x112xi32, #tpu.memory_space<vmem>>, vector<1x16xi32>,
    %get3A_642 = vector.shape_cast %get3A_641 : vector<1x16xi32> to vector<16xi32>
    %add3A_643 = vector.broadcast %mul3A_54 : i32 to vector<16xi32>
    %add3A_644 = arith.addi %get3A_642, %add3A_643 : vector<16xi32>
    %swap3A_645 = arith.constant 6 : i32
    %swap3A_646 = arith.index_cast %swap3A_645 : i32 to index
    %swap3A_647 = arith.constant 48 : index
    %swap3A_648 = tpu.vector_load %arg5[%swap3A_646, %swap3A_647] {strides = array<i32>} : memref<7x112xi32, #tpu.memory_space<vmem>>, vector<1x16xi32>,
    %swap3A_649 = vector.shape_cast %swap3A_648 : vector<1x16xi32> to vector<16xi32>
    %swap3A_650 = vector.shape_cast %add3A_644 : vector<16xi32> to vector<1x16xi32>
    tpu.vector_store %arg5[%swap3A_646, %swap3A_647], %swap3A_650 {strides = array<i32>} : memref<7x112xi32, #tpu.memory_space<vmem>>, vector<1x16xi32>,
    %get3A_651 = arith.constant 6 : i32
    %get3A_652 = arith.index_cast %get3A_651 : i32 to index
    %get3A_653 = arith.constant 64 : index
    %get3A_654 = tpu.vector_load %arg5[%get3A_652, %get3A_653] {strides = array<i32>} : memref<7x112xi32, #tpu.memory_space<vmem>>, vector<1x16xi32>,
    %get3A_655 = vector.shape_cast %get3A_654 : vector<1x16xi32> to vector<16xi32>
    %add3A_656 = vector.broadcast %mul3A_54 : i32 to vector<16xi32>
    %add3A_657 = arith.addi %get3A_655, %add3A_656 : vector<16xi32>
    %swap3A_658 = arith.constant 6 : i32
    %swap3A_659 = arith.index_cast %swap3A_658 : i32 to index
    %swap3A_660 = arith.constant 64 : index
    %swap3A_661 = tpu.vector_load %arg5[%swap3A_659, %swap3A_660] {strides = array<i32>} : memref<7x112xi32, #tpu.memory_space<vmem>>, vector<1x16xi32>,
    %swap3A_662 = vector.shape_cast %swap3A_661 : vector<1x16xi32> to vector<16xi32>
    %swap3A_663 = vector.shape_cast %add3A_657 : vector<16xi32> to vector<1x16xi32>
    tpu.vector_store %arg5[%swap3A_659, %swap3A_660], %swap3A_663 {strides = array<i32>} : memref<7x112xi32, #tpu.memory_space<vmem>>, vector<1x16xi32>,
    %get3A_664 = arith.constant 6 : i32
    %get3A_665 = arith.index_cast %get3A_664 : i32 to index
    %get3A_666 = arith.constant 80 : index
    %get3A_667 = tpu.vector_load %arg5[%get3A_665, %get3A_666] {strides = array<i32>} : memref<7x112xi32, #tpu.memory_space<vmem>>, vector<1x16xi32>,
    %get3A_668 = vector.shape_cast %get3A_667 : vector<1x16xi32> to vector<16xi32>
    %add3A_669 = vector.broadcast %mul3A_54 : i32 to vector<16xi32>
    %add3A_670 = arith.addi %get3A_668, %add3A_669 : vector<16xi32>
    %swap3A_671 = arith.constant 6 : i32
    %swap3A_672 = arith.index_cast %swap3A_671 : i32 to index
    %swap3A_673 = arith.constant 80 : index
    %swap3A_674 = tpu.vector_load %arg5[%swap3A_672, %swap3A_673] {strides = array<i32>} : memref<7x112xi32, #tpu.memory_space<vmem>>, vector<1x16xi32>,
    %swap3A_675 = vector.shape_cast %swap3A_674 : vector<1x16xi32> to vector<16xi32>
    %swap3A_676 = vector.shape_cast %add3A_670 : vector<16xi32> to vector<1x16xi32>
    tpu.vector_store %arg5[%swap3A_672, %swap3A_673], %swap3A_676 {strides = array<i32>} : memref<7x112xi32, #tpu.memory_space<vmem>>, vector<1x16xi32>,
    %get3A_677 = arith.constant 6 : i32
    %get3A_678 = arith.index_cast %get3A_677 : i32 to index
    %get3A_679 = arith.constant 96 : index
    %get3A_680 = tpu.vector_load %arg5[%get3A_678, %get3A_679] {strides = array<i32>} : memref<7x112xi32, #tpu.memory_space<vmem>>, vector<1x16xi32>,
    %get3A_681 = vector.shape_cast %get3A_680 : vector<1x16xi32> to vector<16xi32>
    %add3A_682 = vector.broadcast %mul3A_54 : i32 to vector<16xi32>
    %add3A_683 = arith.addi %get3A_681, %add3A_682 : vector<16xi32>
    %swap3A_684 = arith.constant 6 : i32
    %swap3A_685 = arith.index_cast %swap3A_684 : i32 to index
    %swap3A_686 = arith.constant 96 : index
    %swap3A_687 = tpu.vector_load %arg5[%swap3A_685, %swap3A_686] {strides = array<i32>} : memref<7x112xi32, #tpu.memory_space<vmem>>, vector<1x16xi32>,
    %swap3A_688 = vector.shape_cast %swap3A_687 : vector<1x16xi32> to vector<16xi32>
    %swap3A_689 = vector.shape_cast %add3A_683 : vector<16xi32> to vector<1x16xi32>
    tpu.vector_store %arg5[%swap3A_685, %swap3A_686], %swap3A_689 {strides = array<i32>} : memref<7x112xi32, #tpu.memory_space<vmem>>, vector<1x16xi32>,
    %mul3A_690 = arith.constant 784 : i32
    %mul3A_691 = arith.muli %add3A, %mul3A_690 : i32
    %dma_start3A = arith.constant 0 : i32
    %dma_start3A_692 = arith.constant 0 : i32
    %dma_start3A_693 = tpu.memref_slice %arg5[%dma_start3A, %dma_start3A_692] : memref<7x112xi32, #tpu.memory_space<vmem>> -> memref<1x112xi32, #tpu.memory_space<vmem>>
    %dma_start3A_694 = tpu.memref_squeeze %dma_start3A_693 : memref<1x112xi32, #tpu.memory_space<vmem>> -> memref<112xi32, #tpu.memory_space<vmem>>
    %dma_start3A_695 = arith.constant 0 : i32
    %dma_start3A_696 = arith.constant 0 : i32
    %dma_start3A_697 = tpu.memref_slice %arg2[%dma_start3A_695, %dma_start3A_696] : memref<25088x192xf32, #tpu.memory_space<hbm>> -> memref<25088x192xf32, #tpu.memory_space<hbm>>
    tpu.enqueue_indirect_dma source(%dma_start3A_697 : memref<25088x192xf32, #tpu.memory_space<hbm>>) target(%arg6 : memref<112x192xf32, #tpu.memory_space<vmem>>) offsets(%dma_start3A_694 : memref<112xi32, #tpu.memory_space<vmem>>) semaphore(%arg7 : memref<!tpu.dma_semaphore, #tpu.memory_space<semaphore_mem>>)
    %dma_wait3A = arith.constant 0 : i32
    %dma_wait3A_698 = arith.constant 0 : i32
    %dma_wait3A_699 = tpu.memref_slice %arg5[%dma_wait3A, %dma_wait3A_698] : memref<7x112xi32, #tpu.memory_space<vmem>> -> memref<1x112xi32, #tpu.memory_space<vmem>>
    %dma_wait3A_700 = tpu.memref_squeeze %dma_wait3A_699 : memref<1x112xi32, #tpu.memory_space<vmem>> -> memref<112xi32, #tpu.memory_space<vmem>>
    %dma_wait3A_701 = arith.constant 0 : i32
    %dma_wait3A_702 = arith.constant 0 : i32
    %dma_wait3A_703 = tpu.memref_slice %arg2[%dma_wait3A_701, %dma_wait3A_702] : memref<25088x192xf32, #tpu.memory_space<hbm>> -> memref<25088x192xf32, #tpu.memory_space<hbm>>
    tpu.wait_indirect_dma semaphore(%arg7 : memref<!tpu.dma_semaphore, #tpu.memory_space<semaphore_mem>>) src(%dma_wait3A_703 : memref<25088x192xf32, #tpu.memory_space<hbm>>) dst(%arg6 : memref<112x192xf32, #tpu.memory_space<vmem>>)
    %add3A_704 = arith.constant 0 : i32
    %add3A_705 = arith.addi %mul3A_691, %add3A_704 : i32
    "tpu.region"() ({
      %run_scoped3A_802 = tpu.sem_alloc : memref<!tpu.dma_semaphore, #tpu.memory_space<semaphore_mem>>
      %dma_start3A_803 = arith.constant 0 : i32
      %dma_start3A_804 = tpu.memref_slice %arg4[%add3A_705, %dma_start3A_803] : memref<25088x192xf32, #tpu.memory_space<hbm>> -> memref<112x192xf32, #tpu.memory_space<hbm>>
      %dma_start3A_805 = arith.constant 0 : i32
      %dma_start3A_806 = tpu.memref_slice %arg4[%add3A_705, %dma_start3A_805] : memref<25088x192xf32, #tpu.memory_space<hbm>> -> memref<112x192xf32, #tpu.memory_space<hbm>>
      tpu.enqueue_dma source(%arg6 : memref<112x192xf32, #tpu.memory_space<vmem>>) target(%dma_start3A_806 : memref<112x192xf32, #tpu.memory_space<hbm>>) target_semaphore(%run_scoped3A_802 : memref<!tpu.dma_semaphore, #tpu.memory_space<semaphore_mem>>)
      %dma_wait3A_807 = arith.constant 0 : i32
      %dma_wait3A_808 = tpu.memref_slice %arg4[%add3A_705, %dma_wait3A_807] : memref<25088x192xf32, #tpu.memory_space<hbm>> -> memref<112x192xf32, #tpu.memory_space<hbm>>
      %dma_wait3A_809 = arith.constant 0 : i32
      %dma_wait3A_810 = tpu.memref_slice %arg4[%add3A_705, %dma_wait3A_809] : memref<25088x192xf32, #tpu.memory_space<hbm>> -> memref<112x192xf32, #tpu.memory_space<hbm>>
      tpu.wait_dma2 semaphore(%run_scoped3A_802 : memref<!tpu.dma_semaphore, #tpu.memory_space<semaphore_mem>>) src(%arg6 : memref<112x192xf32, #tpu.memory_space<vmem>>) dst(%dma_wait3A_810 : memref<112x192xf32, #tpu.memory_space<hbm>>)
      tpu.yield
    }) : () -> ()
    %dma_start3A_706 = arith.constant 1 : i32
    %dma_start3A_707 = arith.constant 0 : i32
    %dma_start3A_708 = tpu.memref_slice %arg5[%dma_start3A_706, %dma_start3A_707] : memref<7x112xi32, #tpu.memory_space<vmem>> -> memref<1x112xi32, #tpu.memory_space<vmem>>
    %dma_start3A_709 = tpu.memref_squeeze %dma_start3A_708 : memref<1x112xi32, #tpu.memory_space<vmem>> -> memref<112xi32, #tpu.memory_space<vmem>>
    %dma_start3A_710 = arith.constant 0 : i32
    %dma_start3A_711 = arith.constant 0 : i32
    %dma_start3A_712 = tpu.memref_slice %arg2[%dma_start3A_710, %dma_start3A_711] : memref<25088x192xf32, #tpu.memory_space<hbm>> -> memref<25088x192xf32, #tpu.memory_space<hbm>>
    tpu.enqueue_indirect_dma source(%dma_start3A_712 : memref<25088x192xf32, #tpu.memory_space<hbm>>) target(%arg6 : memref<112x192xf32, #tpu.memory_space<vmem>>) offsets(%dma_start3A_709 : memref<112xi32, #tpu.memory_space<vmem>>) semaphore(%arg7 : memref<!tpu.dma_semaphore, #tpu.memory_space<semaphore_mem>>)
    %dma_wait3A_713 = arith.constant 1 : i32
    %dma_wait3A_714 = arith.constant 0 : i32
    %dma_wait3A_715 = tpu.memref_slice %arg5[%dma_wait3A_713, %dma_wait3A_714] : memref<7x112xi32, #tpu.memory_space<vmem>> -> memref<1x112xi32, #tpu.memory_space<vmem>>
    %dma_wait3A_716 = tpu.memref_squeeze %dma_wait3A_715 : memref<1x112xi32, #tpu.memory_space<vmem>> -> memref<112xi32, #tpu.memory_space<vmem>>
    %dma_wait3A_717 = arith.constant 0 : i32
    %dma_wait3A_718 = arith.constant 0 : i32
    %dma_wait3A_719 = tpu.memref_slice %arg2[%dma_wait3A_717, %dma_wait3A_718] : memref<25088x192xf32, #tpu.memory_space<hbm>> -> memref<25088x192xf32, #tpu.memory_space<hbm>>
    tpu.wait_indirect_dma semaphore(%arg7 : memref<!tpu.dma_semaphore, #tpu.memory_space<semaphore_mem>>) src(%dma_wait3A_719 : memref<25088x192xf32, #tpu.memory_space<hbm>>) dst(%arg6 : memref<112x192xf32, #tpu.memory_space<vmem>>)
    %add3A_720 = arith.constant 112 : i32
    %add3A_721 = arith.addi %mul3A_691, %add3A_720 : i32
    "tpu.region"() ({
      %run_scoped3A_802 = tpu.sem_alloc : memref<!tpu.dma_semaphore, #tpu.memory_space<semaphore_mem>>
      %dma_start3A_803 = arith.constant 0 : i32
      %dma_start3A_804 = tpu.memref_slice %arg4[%add3A_721, %dma_start3A_803] : memref<25088x192xf32, #tpu.memory_space<hbm>> -> memref<112x192xf32, #tpu.memory_space<hbm>>
      %dma_start3A_805 = arith.constant 0 : i32
      %dma_start3A_806 = tpu.memref_slice %arg4[%add3A_721, %dma_start3A_805] : memref<25088x192xf32, #tpu.memory_space<hbm>> -> memref<112x192xf32, #tpu.memory_space<hbm>>
      tpu.enqueue_dma source(%arg6 : memref<112x192xf32, #tpu.memory_space<vmem>>) target(%dma_start3A_806 : memref<112x192xf32, #tpu.memory_space<hbm>>) target_semaphore(%run_scoped3A_802 : memref<!tpu.dma_semaphore, #tpu.memory_space<semaphore_mem>>)
      %dma_wait3A_807 = arith.constant 0 : i32
      %dma_wait3A_808 = tpu.memref_slice %arg4[%add3A_721, %dma_wait3A_807] : memref<25088x192xf32, #tpu.memory_space<hbm>> -> memref<112x192xf32, #tpu.memory_space<hbm>>
      %dma_wait3A_809 = arith.constant 0 : i32
      %dma_wait3A_810 = tpu.memref_slice %arg4[%add3A_721, %dma_wait3A_809] : memref<25088x192xf32, #tpu.memory_space<hbm>> -> memref<112x192xf32, #tpu.memory_space<hbm>>
      tpu.wait_dma2 semaphore(%run_scoped3A_802 : memref<!tpu.dma_semaphore, #tpu.memory_space<semaphore_mem>>) src(%arg6 : memref<112x192xf32, #tpu.memory_space<vmem>>) dst(%dma_wait3A_810 : memref<112x192xf32, #tpu.memory_space<hbm>>)
      tpu.yield
    }) : () -> ()
    %dma_start3A_722 = arith.constant 2 : i32
    %dma_start3A_723 = arith.constant 0 : i32
    %dma_start3A_724 = tpu.memref_slice %arg5[%dma_start3A_722, %dma_start3A_723] : memref<7x112xi32, #tpu.memory_space<vmem>> -> memref<1x112xi32, #tpu.memory_space<vmem>>
    %dma_start3A_725 = tpu.memref_squeeze %dma_start3A_724 : memref<1x112xi32, #tpu.memory_space<vmem>> -> memref<112xi32, #tpu.memory_space<vmem>>
    %dma_start3A_726 = arith.constant 0 : i32
    %dma_start3A_727 = arith.constant 0 : i32
    %dma_start3A_728 = tpu.memref_slice %arg2[%dma_start3A_726, %dma_start3A_727] : memref<25088x192xf32, #tpu.memory_space<hbm>> -> memref<25088x192xf32, #tpu.memory_space<hbm>>
    tpu.enqueue_indirect_dma source(%dma_start3A_728 : memref<25088x192xf32, #tpu.memory_space<hbm>>) target(%arg6 : memref<112x192xf32, #tpu.memory_space<vmem>>) offsets(%dma_start3A_725 : memref<112xi32, #tpu.memory_space<vmem>>) semaphore(%arg7 : memref<!tpu.dma_semaphore, #tpu.memory_space<semaphore_mem>>)
    %dma_wait3A_729 = arith.constant 2 : i32
    %dma_wait3A_730 = arith.constant 0 : i32
    %dma_wait3A_731 = tpu.memref_slice %arg5[%dma_wait3A_729, %dma_wait3A_730] : memref<7x112xi32, #tpu.memory_space<vmem>> -> memref<1x112xi32, #tpu.memory_space<vmem>>
    %dma_wait3A_732 = tpu.memref_squeeze %dma_wait3A_731 : memref<1x112xi32, #tpu.memory_space<vmem>> -> memref<112xi32, #tpu.memory_space<vmem>>
    %dma_wait3A_733 = arith.constant 0 : i32
    %dma_wait3A_734 = arith.constant 0 : i32
    %dma_wait3A_735 = tpu.memref_slice %arg2[%dma_wait3A_733, %dma_wait3A_734] : memref<25088x192xf32, #tpu.memory_space<hbm>> -> memref<25088x192xf32, #tpu.memory_space<hbm>>
    tpu.wait_indirect_dma semaphore(%arg7 : memref<!tpu.dma_semaphore, #tpu.memory_space<semaphore_mem>>) src(%dma_wait3A_735 : memref<25088x192xf32, #tpu.memory_space<hbm>>) dst(%arg6 : memref<112x192xf32, #tpu.memory_space<vmem>>)
    %add3A_736 = arith.constant 224 : i32
    %add3A_737 = arith.addi %mul3A_691, %add3A_736 : i32
    "tpu.region"() ({
      %run_scoped3A_802 = tpu.sem_alloc : memref<!tpu.dma_semaphore, #tpu.memory_space<semaphore_mem>>
      %dma_start3A_803 = arith.constant 0 : i32
      %dma_start3A_804 = tpu.memref_slice %arg4[%add3A_737, %dma_start3A_803] : memref<25088x192xf32, #tpu.memory_space<hbm>> -> memref<112x192xf32, #tpu.memory_space<hbm>>
      %dma_start3A_805 = arith.constant 0 : i32
      %dma_start3A_806 = tpu.memref_slice %arg4[%add3A_737, %dma_start3A_805] : memref<25088x192xf32, #tpu.memory_space<hbm>> -> memref<112x192xf32, #tpu.memory_space<hbm>>
      tpu.enqueue_dma source(%arg6 : memref<112x192xf32, #tpu.memory_space<vmem>>) target(%dma_start3A_806 : memref<112x192xf32, #tpu.memory_space<hbm>>) target_semaphore(%run_scoped3A_802 : memref<!tpu.dma_semaphore, #tpu.memory_space<semaphore_mem>>)
      %dma_wait3A_807 = arith.constant 0 : i32
      %dma_wait3A_808 = tpu.memref_slice %arg4[%add3A_737, %dma_wait3A_807] : memref<25088x192xf32, #tpu.memory_space<hbm>> -> memref<112x192xf32, #tpu.memory_space<hbm>>
      %dma_wait3A_809 = arith.constant 0 : i32
      %dma_wait3A_810 = tpu.memref_slice %arg4[%add3A_737, %dma_wait3A_809] : memref<25088x192xf32, #tpu.memory_space<hbm>> -> memref<112x192xf32, #tpu.memory_space<hbm>>
      tpu.wait_dma2 semaphore(%run_scoped3A_802 : memref<!tpu.dma_semaphore, #tpu.memory_space<semaphore_mem>>) src(%arg6 : memref<112x192xf32, #tpu.memory_space<vmem>>) dst(%dma_wait3A_810 : memref<112x192xf32, #tpu.memory_space<hbm>>)
      tpu.yield
    }) : () -> ()
    %dma_start3A_738 = arith.constant 3 : i32
    %dma_start3A_739 = arith.constant 0 : i32
    %dma_start3A_740 = tpu.memref_slice %arg5[%dma_start3A_738, %dma_start3A_739] : memref<7x112xi32, #tpu.memory_space<vmem>> -> memref<1x112xi32, #tpu.memory_space<vmem>>
    %dma_start3A_741 = tpu.memref_squeeze %dma_start3A_740 : memref<1x112xi32, #tpu.memory_space<vmem>> -> memref<112xi32, #tpu.memory_space<vmem>>
    %dma_start3A_742 = arith.constant 0 : i32
    %dma_start3A_743 = arith.constant 0 : i32
    %dma_start3A_744 = tpu.memref_slice %arg2[%dma_start3A_742, %dma_start3A_743] : memref<25088x192xf32, #tpu.memory_space<hbm>> -> memref<25088x192xf32, #tpu.memory_space<hbm>>
    tpu.enqueue_indirect_dma source(%dma_start3A_744 : memref<25088x192xf32, #tpu.memory_space<hbm>>) target(%arg6 : memref<112x192xf32, #tpu.memory_space<vmem>>) offsets(%dma_start3A_741 : memref<112xi32, #tpu.memory_space<vmem>>) semaphore(%arg7 : memref<!tpu.dma_semaphore, #tpu.memory_space<semaphore_mem>>)
    %dma_wait3A_745 = arith.constant 3 : i32
    %dma_wait3A_746 = arith.constant 0 : i32
    %dma_wait3A_747 = tpu.memref_slice %arg5[%dma_wait3A_745, %dma_wait3A_746] : memref<7x112xi32, #tpu.memory_space<vmem>> -> memref<1x112xi32, #tpu.memory_space<vmem>>
    %dma_wait3A_748 = tpu.memref_squeeze %dma_wait3A_747 : memref<1x112xi32, #tpu.memory_space<vmem>> -> memref<112xi32, #tpu.memory_space<vmem>>
    %dma_wait3A_749 = arith.constant 0 : i32
    %dma_wait3A_750 = arith.constant 0 : i32
    %dma_wait3A_751 = tpu.memref_slice %arg2[%dma_wait3A_749, %dma_wait3A_750] : memref<25088x192xf32, #tpu.memory_space<hbm>> -> memref<25088x192xf32, #tpu.memory_space<hbm>>
    tpu.wait_indirect_dma semaphore(%arg7 : memref<!tpu.dma_semaphore, #tpu.memory_space<semaphore_mem>>) src(%dma_wait3A_751 : memref<25088x192xf32, #tpu.memory_space<hbm>>) dst(%arg6 : memref<112x192xf32, #tpu.memory_space<vmem>>)
    %add3A_752 = arith.constant 336 : i32
    %add3A_753 = arith.addi %mul3A_691, %add3A_752 : i32
    "tpu.region"() ({
      %run_scoped3A_802 = tpu.sem_alloc : memref<!tpu.dma_semaphore, #tpu.memory_space<semaphore_mem>>
      %dma_start3A_803 = arith.constant 0 : i32
      %dma_start3A_804 = tpu.memref_slice %arg4[%add3A_753, %dma_start3A_803] : memref<25088x192xf32, #tpu.memory_space<hbm>> -> memref<112x192xf32, #tpu.memory_space<hbm>>
      %dma_start3A_805 = arith.constant 0 : i32
      %dma_start3A_806 = tpu.memref_slice %arg4[%add3A_753, %dma_start3A_805] : memref<25088x192xf32, #tpu.memory_space<hbm>> -> memref<112x192xf32, #tpu.memory_space<hbm>>
      tpu.enqueue_dma source(%arg6 : memref<112x192xf32, #tpu.memory_space<vmem>>) target(%dma_start3A_806 : memref<112x192xf32, #tpu.memory_space<hbm>>) target_semaphore(%run_scoped3A_802 : memref<!tpu.dma_semaphore, #tpu.memory_space<semaphore_mem>>)
      %dma_wait3A_807 = arith.constant 0 : i32
      %dma_wait3A_808 = tpu.memref_slice %arg4[%add3A_753, %dma_wait3A_807] : memref<25088x192xf32, #tpu.memory_space<hbm>> -> memref<112x192xf32, #tpu.memory_space<hbm>>
      %dma_wait3A_809 = arith.constant 0 : i32
      %dma_wait3A_810 = tpu.memref_slice %arg4[%add3A_753, %dma_wait3A_809] : memref<25088x192xf32, #tpu.memory_space<hbm>> -> memref<112x192xf32, #tpu.memory_space<hbm>>
      tpu.wait_dma2 semaphore(%run_scoped3A_802 : memref<!tpu.dma_semaphore, #tpu.memory_space<semaphore_mem>>) src(%arg6 : memref<112x192xf32, #tpu.memory_space<vmem>>) dst(%dma_wait3A_810 : memref<112x192xf32, #tpu.memory_space<hbm>>)
      tpu.yield
    }) : () -> ()
    %dma_start3A_754 = arith.constant 4 : i32
    %dma_start3A_755 = arith.constant 0 : i32
    %dma_start3A_756 = tpu.memref_slice %arg5[%dma_start3A_754, %dma_start3A_755] : memref<7x112xi32, #tpu.memory_space<vmem>> -> memref<1x112xi32, #tpu.memory_space<vmem>>
    %dma_start3A_757 = tpu.memref_squeeze %dma_start3A_756 : memref<1x112xi32, #tpu.memory_space<vmem>> -> memref<112xi32, #tpu.memory_space<vmem>>
    %dma_start3A_758 = arith.constant 0 : i32
    %dma_start3A_759 = arith.constant 0 : i32
    %dma_start3A_760 = tpu.memref_slice %arg2[%dma_start3A_758, %dma_start3A_759] : memref<25088x192xf32, #tpu.memory_space<hbm>> -> memref<25088x192xf32, #tpu.memory_space<hbm>>
    tpu.enqueue_indirect_dma source(%dma_start3A_760 : memref<25088x192xf32, #tpu.memory_space<hbm>>) target(%arg6 : memref<112x192xf32, #tpu.memory_space<vmem>>) offsets(%dma_start3A_757 : memref<112xi32, #tpu.memory_space<vmem>>) semaphore(%arg7 : memref<!tpu.dma_semaphore, #tpu.memory_space<semaphore_mem>>)
    %dma_wait3A_761 = arith.constant 4 : i32
    %dma_wait3A_762 = arith.constant 0 : i32
    %dma_wait3A_763 = tpu.memref_slice %arg5[%dma_wait3A_761, %dma_wait3A_762] : memref<7x112xi32, #tpu.memory_space<vmem>> -> memref<1x112xi32, #tpu.memory_space<vmem>>
    %dma_wait3A_764 = tpu.memref_squeeze %dma_wait3A_763 : memref<1x112xi32, #tpu.memory_space<vmem>> -> memref<112xi32, #tpu.memory_space<vmem>>
    %dma_wait3A_765 = arith.constant 0 : i32
    %dma_wait3A_766 = arith.constant 0 : i32
    %dma_wait3A_767 = tpu.memref_slice %arg2[%dma_wait3A_765, %dma_wait3A_766] : memref<25088x192xf32, #tpu.memory_space<hbm>> -> memref<25088x192xf32, #tpu.memory_space<hbm>>
    tpu.wait_indirect_dma semaphore(%arg7 : memref<!tpu.dma_semaphore, #tpu.memory_space<semaphore_mem>>) src(%dma_wait3A_767 : memref<25088x192xf32, #tpu.memory_space<hbm>>) dst(%arg6 : memref<112x192xf32, #tpu.memory_space<vmem>>)
    %add3A_768 = arith.constant 448 : i32
    %add3A_769 = arith.addi %mul3A_691, %add3A_768 : i32
    "tpu.region"() ({
      %run_scoped3A_802 = tpu.sem_alloc : memref<!tpu.dma_semaphore, #tpu.memory_space<semaphore_mem>>
      %dma_start3A_803 = arith.constant 0 : i32
      %dma_start3A_804 = tpu.memref_slice %arg4[%add3A_769, %dma_start3A_803] : memref<25088x192xf32, #tpu.memory_space<hbm>> -> memref<112x192xf32, #tpu.memory_space<hbm>>
      %dma_start3A_805 = arith.constant 0 : i32
      %dma_start3A_806 = tpu.memref_slice %arg4[%add3A_769, %dma_start3A_805] : memref<25088x192xf32, #tpu.memory_space<hbm>> -> memref<112x192xf32, #tpu.memory_space<hbm>>
      tpu.enqueue_dma source(%arg6 : memref<112x192xf32, #tpu.memory_space<vmem>>) target(%dma_start3A_806 : memref<112x192xf32, #tpu.memory_space<hbm>>) target_semaphore(%run_scoped3A_802 : memref<!tpu.dma_semaphore, #tpu.memory_space<semaphore_mem>>)
      %dma_wait3A_807 = arith.constant 0 : i32
      %dma_wait3A_808 = tpu.memref_slice %arg4[%add3A_769, %dma_wait3A_807] : memref<25088x192xf32, #tpu.memory_space<hbm>> -> memref<112x192xf32, #tpu.memory_space<hbm>>
      %dma_wait3A_809 = arith.constant 0 : i32
      %dma_wait3A_810 = tpu.memref_slice %arg4[%add3A_769, %dma_wait3A_809] : memref<25088x192xf32, #tpu.memory_space<hbm>> -> memref<112x192xf32, #tpu.memory_space<hbm>>
      tpu.wait_dma2 semaphore(%run_scoped3A_802 : memref<!tpu.dma_semaphore, #tpu.memory_space<semaphore_mem>>) src(%arg6 : memref<112x192xf32, #tpu.memory_space<vmem>>) dst(%dma_wait3A_810 : memref<112x192xf32, #tpu.memory_space<hbm>>)
      tpu.yield
    }) : () -> ()
    %dma_start3A_770 = arith.constant 5 : i32
    %dma_start3A_771 = arith.constant 0 : i32
    %dma_start3A_772 = tpu.memref_slice %arg5[%dma_start3A_770, %dma_start3A_771] : memref<7x112xi32, #tpu.memory_space<vmem>> -> memref<1x112xi32, #tpu.memory_space<vmem>>
    %dma_start3A_773 = tpu.memref_squeeze %dma_start3A_772 : memref<1x112xi32, #tpu.memory_space<vmem>> -> memref<112xi32, #tpu.memory_space<vmem>>
    %dma_start3A_774 = arith.constant 0 : i32
    %dma_start3A_775 = arith.constant 0 : i32
    %dma_start3A_776 = tpu.memref_slice %arg2[%dma_start3A_774, %dma_start3A_775] : memref<25088x192xf32, #tpu.memory_space<hbm>> -> memref<25088x192xf32, #tpu.memory_space<hbm>>
    tpu.enqueue_indirect_dma source(%dma_start3A_776 : memref<25088x192xf32, #tpu.memory_space<hbm>>) target(%arg6 : memref<112x192xf32, #tpu.memory_space<vmem>>) offsets(%dma_start3A_773 : memref<112xi32, #tpu.memory_space<vmem>>) semaphore(%arg7 : memref<!tpu.dma_semaphore, #tpu.memory_space<semaphore_mem>>)
    %dma_wait3A_777 = arith.constant 5 : i32
    %dma_wait3A_778 = arith.constant 0 : i32
    %dma_wait3A_779 = tpu.memref_slice %arg5[%dma_wait3A_777, %dma_wait3A_778] : memref<7x112xi32, #tpu.memory_space<vmem>> -> memref<1x112xi32, #tpu.memory_space<vmem>>
    %dma_wait3A_780 = tpu.memref_squeeze %dma_wait3A_779 : memref<1x112xi32, #tpu.memory_space<vmem>> -> memref<112xi32, #tpu.memory_space<vmem>>
    %dma_wait3A_781 = arith.constant 0 : i32
    %dma_wait3A_782 = arith.constant 0 : i32
    %dma_wait3A_783 = tpu.memref_slice %arg2[%dma_wait3A_781, %dma_wait3A_782] : memref<25088x192xf32, #tpu.memory_space<hbm>> -> memref<25088x192xf32, #tpu.memory_space<hbm>>
    tpu.wait_indirect_dma semaphore(%arg7 : memref<!tpu.dma_semaphore, #tpu.memory_space<semaphore_mem>>) src(%dma_wait3A_783 : memref<25088x192xf32, #tpu.memory_space<hbm>>) dst(%arg6 : memref<112x192xf32, #tpu.memory_space<vmem>>)
    %add3A_784 = arith.constant 560 : i32
    %add3A_785 = arith.addi %mul3A_691, %add3A_784 : i32
    "tpu.region"() ({
      %run_scoped3A_802 = tpu.sem_alloc : memref<!tpu.dma_semaphore, #tpu.memory_space<semaphore_mem>>
      %dma_start3A_803 = arith.constant 0 : i32
      %dma_start3A_804 = tpu.memref_slice %arg4[%add3A_785, %dma_start3A_803] : memref<25088x192xf32, #tpu.memory_space<hbm>> -> memref<112x192xf32, #tpu.memory_space<hbm>>
      %dma_start3A_805 = arith.constant 0 : i32
      %dma_start3A_806 = tpu.memref_slice %arg4[%add3A_785, %dma_start3A_805] : memref<25088x192xf32, #tpu.memory_space<hbm>> -> memref<112x192xf32, #tpu.memory_space<hbm>>
      tpu.enqueue_dma source(%arg6 : memref<112x192xf32, #tpu.memory_space<vmem>>) target(%dma_start3A_806 : memref<112x192xf32, #tpu.memory_space<hbm>>) target_semaphore(%run_scoped3A_802 : memref<!tpu.dma_semaphore, #tpu.memory_space<semaphore_mem>>)
      %dma_wait3A_807 = arith.constant 0 : i32
      %dma_wait3A_808 = tpu.memref_slice %arg4[%add3A_785, %dma_wait3A_807] : memref<25088x192xf32, #tpu.memory_space<hbm>> -> memref<112x192xf32, #tpu.memory_space<hbm>>
      %dma_wait3A_809 = arith.constant 0 : i32
      %dma_wait3A_810 = tpu.memref_slice %arg4[%add3A_785, %dma_wait3A_809] : memref<25088x192xf32, #tpu.memory_space<hbm>> -> memref<112x192xf32, #tpu.memory_space<hbm>>
      tpu.wait_dma2 semaphore(%run_scoped3A_802 : memref<!tpu.dma_semaphore, #tpu.memory_space<semaphore_mem>>) src(%arg6 : memref<112x192xf32, #tpu.memory_space<vmem>>) dst(%dma_wait3A_810 : memref<112x192xf32, #tpu.memory_space<hbm>>)
      tpu.yield
    }) : () -> ()
    %dma_start3A_786 = arith.constant 6 : i32
    %dma_start3A_787 = arith.constant 0 : i32
    %dma_start3A_788 = tpu.memref_slice %arg5[%dma_start3A_786, %dma_start3A_787] : memref<7x112xi32, #tpu.memory_space<vmem>> -> memref<1x112xi32, #tpu.memory_space<vmem>>
    %dma_start3A_789 = tpu.memref_squeeze %dma_start3A_788 : memref<1x112xi32, #tpu.memory_space<vmem>> -> memref<112xi32, #tpu.memory_space<vmem>>
    %dma_start3A_790 = arith.constant 0 : i32
    %dma_start3A_791 = arith.constant 0 : i32
    %dma_start3A_792 = tpu.memref_slice %arg2[%dma_start3A_790, %dma_start3A_791] : memref<25088x192xf32, #tpu.memory_space<hbm>> -> memref<25088x192xf32, #tpu.memory_space<hbm>>
    tpu.enqueue_indirect_dma source(%dma_start3A_792 : memref<25088x192xf32, #tpu.memory_space<hbm>>) target(%arg6 : memref<112x192xf32, #tpu.memory_space<vmem>>) offsets(%dma_start3A_789 : memref<112xi32, #tpu.memory_space<vmem>>) semaphore(%arg7 : memref<!tpu.dma_semaphore, #tpu.memory_space<semaphore_mem>>)
    %dma_wait3A_793 = arith.constant 6 : i32
    %dma_wait3A_794 = arith.constant 0 : i32
    %dma_wait3A_795 = tpu.memref_slice %arg5[%dma_wait3A_793, %dma_wait3A_794] : memref<7x112xi32, #tpu.memory_space<vmem>> -> memref<1x112xi32, #tpu.memory_space<vmem>>
    %dma_wait3A_796 = tpu.memref_squeeze %dma_wait3A_795 : memref<1x112xi32, #tpu.memory_space<vmem>> -> memref<112xi32, #tpu.memory_space<vmem>>
    %dma_wait3A_797 = arith.constant 0 : i32
    %dma_wait3A_798 = arith.constant 0 : i32
    %dma_wait3A_799 = tpu.memref_slice %arg2[%dma_wait3A_797, %dma_wait3A_798] : memref<25088x192xf32, #tpu.memory_space<hbm>> -> memref<25088x192xf32, #tpu.memory_space<hbm>>
    tpu.wait_indirect_dma semaphore(%arg7 : memref<!tpu.dma_semaphore, #tpu.memory_space<semaphore_mem>>) src(%dma_wait3A_799 : memref<25088x192xf32, #tpu.memory_space<hbm>>) dst(%arg6 : memref<112x192xf32, #tpu.memory_space<vmem>>)
    %add3A_800 = arith.constant 672 : i32
    %add3A_801 = arith.addi %mul3A_691, %add3A_800 : i32
    "tpu.region"() ({
      %run_scoped3A_802 = tpu.sem_alloc : memref<!tpu.dma_semaphore, #tpu.memory_space<semaphore_mem>>
      %dma_start3A_803 = arith.constant 0 : i32
      %dma_start3A_804 = tpu.memref_slice %arg4[%add3A_801, %dma_start3A_803] : memref<25088x192xf32, #tpu.memory_space<hbm>> -> memref<112x192xf32, #tpu.memory_space<hbm>>
      %dma_start3A_805 = arith.constant 0 : i32
      %dma_start3A_806 = tpu.memref_slice %arg4[%add3A_801, %dma_start3A_805] : memref<25088x192xf32, #tpu.memory_space<hbm>> -> memref<112x192xf32, #tpu.memory_space<hbm>>
      tpu.enqueue_dma source(%arg6 : memref<112x192xf32, #tpu.memory_space<vmem>>) target(%dma_start3A_806 : memref<112x192xf32, #tpu.memory_space<hbm>>) target_semaphore(%run_scoped3A_802 : memref<!tpu.dma_semaphore, #tpu.memory_space<semaphore_mem>>)
      %dma_wait3A_807 = arith.constant 0 : i32
      %dma_wait3A_808 = tpu.memref_slice %arg4[%add3A_801, %dma_wait3A_807] : memref<25088x192xf32, #tpu.memory_space<hbm>> -> memref<112x192xf32, #tpu.memory_space<hbm>>
      %dma_wait3A_809 = arith.constant 0 : i32
      %dma_wait3A_810 = tpu.memref_slice %arg4[%add3A_801, %dma_wait3A_809] : memref<25088x192xf32, #tpu.memory_space<hbm>> -> memref<112x192xf32, #tpu.memory_space<hbm>>
      tpu.wait_dma2 semaphore(%run_scoped3A_802 : memref<!tpu.dma_semaphore, #tpu.memory_space<semaphore_mem>>) src(%arg6 : memref<112x192xf32, #tpu.memory_space<vmem>>) dst(%dma_wait3A_810 : memref<112x192xf32, #tpu.memory_space<hbm>>)
      tpu.yield
    }) : () -> ()
    return
  }
}

</mosaic_0001>

<sc_bundles>
// kernel: kernel.3.cloned.1.call-start
scs
__scs_entry_jumppad:
0x0: {  	(pc) =	sbr.rel $0x88, $3  }
0x1: {  	(tag) =	ssettag $0x0;
	lr =	simm.s32 $0x1  }
0x2: {  	[smem:$0x3F9F] =	sst lr;
	_ =	strace $0xD0000000  }
0x3: {  	_ = 	snop  }
0x4: {  	_ = 	snop  }
0x5: {  	_ = 	snop  }
0x6: {  	_ = 	snop  }
0x7: {  	_ = 	snop  }
__scs_overlays_trampoline_lowered:
0x8: {  	[smem:$0x3FAE] =	sst s0  }
0x9: {  	[smem:$0x3FAF] =	sst s1  }
0xa: {  	[smem:$0x3FB0] =	sst s2  }
0xb: {  	[smem:$0x3FB1] =	sst s3  }
0xc: {  	[smem:$0x3FB2] =	sst s4  }
0xd: {  	[smem:$0x3FB3] =	sst s5  }
0xe: {  	[smem:$0x3FB4] =	sst s6  }
0xf: {  	[smem:$0x3FB5] =	sst s7  }
0x10: {  	[smem:$0x3FB6] =	sst s8  }
0x11: {  	[smem:$0x3FB7] =	sst s9;
	s0 =	simm.s32 @!p0 $0x0  }
0x12: {  	s1 =	sld [smem:$0x3F9D];
	s0 =	simm.s32 @p0 $0x1  }
0x13: {  	[smem:$0x3FB8] =	sst s0;
	s0 =	simm.s32 @!p1 $0x0  }
0x14: {  	s2 =	sld [smem:$0x3F9C];
	s0 =	simm.s32 @p1 $0x1  }
0x15: {  	[smem:$0x3FB9] =	sst s0;
	s0 =	simm.s32 @!p2 $0x0  }
0x16: {  	s3 =	sld [smem:$0x3FDB];
	s0 =	simm.s32 @p2 $0x1  }
0x17: {  	s4 =	simm.s32 $0x1BF5;
	[smem:$0x3FBB] =	sst s0  }
0x18: {  	s0 =	sld [smem:$0x3F9E];
	_ =	swait.ge [sflag:s4], $0x0  }
0x19: {  	s7 =	sld [smem:$0x3F9F]  }
0x1a: {  	s8 =	sadd.s32 $0xFFFFE003, lr  }
0x1b: {  	s9 =	sadd.s32 $0xFFFFFEF7, lr;
	s5 =	simm.s32 $0xFFFFFFFF;
	p2 =	slt.u32 s8, $0xFFFFF086  }
0x1c: {  	p1 =	slt.u32 s9, $0xF7A;
	s5 =	simm.s32 @!p2 $0x0  }
0x1d: {  	s5 =	simm.s32 @p1 $0x1;
	p0 =	seq.s32 s7, s2  }
0x1e: {  	s7 =	smul.u32 @!p0 $0xF7A, s2;
	p2 =	seq.s32 @!p0 s5, $0x0  }
0x1f: {  	s9 =	smul.u32 $0xF7A, s1;
	s8 =	simm.s32 @!p0 $0x1BF5;
	p2 =	por !p2, p0  }
0x20: {  	[sflag:s8] =	ssyncset.s32 @!p0 $0xFFFFF086;
	s6 =	sadd.s32 @!p0 s3, s7;
	s7 =	simm.s32 @!p0 $0x108  }
0x21: {  	s3 =	sadd.s32 s3, s9;
	s6 =	sadd.s32 @!p0 $0x88, s6;
	s7 =	simm.s32 @p2 $0x1082  }
0x22: {  	[simem:s7], [sflag:s8] =	dma.local @!p0 [hbm:s6], $0xF7A  }
0x23: {  	s9 =	sor.u32 $0xD0000000, s2;
	s6 =	simm.s32 $0x108;
	_ =	swait.ge @!p0 [sflag:s8], $0x0  }
0x24: {  	s3 =	sadd.s32 $0x88, s3;
	s6 =	simm.s32 @!p1 $0x1082;
	[sflag:s4] =	ssyncset.s32 $0xFFFFF086  }
0x25: {  	[simem:s6], [sflag:s4] =	dma.local [hbm:s3], $0xF7A  }
0x26: {  	[smem:$0x3F9F] =	sst s1;
	(tag) =	ssettag s2;
	_ =	strace s9  }
0x27: {  	s1 =	sld [smem:$0x3FAF]  }
0x28: {  	s2 =	sld [smem:$0x3FB0]  }
0x29: {  	s4 =	sld [smem:$0x3FB2]  }
0x2a: {  	p0 =	seq.s32 s5, $0x0;
	s5 =	sld [smem:$0x3FB3]  }
0x2b: {  	s6 =	sld [smem:$0x3FB4]  }
0x2c: {  	s7 =	sld [smem:$0x3FB5]  }
0x2d: {  	s3 =	simm.s32 $0x108;
	s8 =	sld [smem:$0x3FB6]  }
0x2e: {  	s3 =	simm.s32 @!p0 $0x1082;
	s9 =	sld [smem:$0x3FB7]  }
0x2f: {  	lr =	sadd.s32 s0, s3;
	s0 =	sld [smem:$0x3FAE]  }
0x30: {  	s3 =	sld [smem:$0x3FB1]  }
0x31: {  	[smem:$0x3FBA] =	sst s10  }
0x32: {  	s10 =	sld [smem:$0x3FB8];
	_ =	sdelay $0x3  }
0x33: {  	p0 =	seq.s32 s10, $0x1;
	s10 =	sld [smem:$0x3FBA];
	_ =	sdelay $0x3  }
0x34: {  	[smem:$0x3FBA] =	sst s10  }
0x35: {  	s10 =	sld [smem:$0x3FB9];
	_ =	sdelay $0x3  }
0x36: {  	p1 =	seq.s32 s10, $0x1;
	s10 =	sld [smem:$0x3FBA];
	_ =	sdelay $0x3  }
0x37: {  	[smem:$0x3FBA] =	sst s10  }
0x38: {  	s10 =	sld [smem:$0x3FBB]  }
0x39: {  	_ = 	snop;
	(pc) =	sbr.ind lr, $3  }
0x3a: {  	_ = 	snop  }
0x3b: {  	_ = 	snop  }
0x3c: {  	p2 =	seq.s32 s10, $0x1;
	s10 =	sld [smem:$0x3FBA]  }
0x3d: {  	_ =	shalt  }
0x3e: {  	_ =	shalt  }
0x3f: {  	_ =	shalt  }
0x40: {  	_ =	shalt  }
0x41: {  	_ =	shalt  }
0x42: {  	_ =	shalt  }
0x43: {  	_ =	shalt  }
0x44: {  	_ =	shalt  }
0x45: {  	_ =	shalt  }
0x46: {  	_ =	shalt  }
0x47: {  	_ =	shalt  }
0x48: {  	_ =	shalt  }
0x49: {  	_ =	shalt  }
0x4a: {  	_ =	shalt  }
0x4b: {  	_ =	shalt  }
0x4c: {  	_ =	shalt  }
0x4d: {  	_ =	shalt  }
0x4e: {  	_ =	shalt  }
0x4f: {  	_ =	shalt  }
0x50: {  	_ =	shalt  }
0x51: {  	_ =	shalt  }
0x52: {  	_ =	shalt  }
0x53: {  	_ =	shalt  }
0x54: {  	_ =	shalt  }
0x55: {  	_ =	shalt  }
0x56: {  	_ =	shalt  }
0x57: {  	_ =	shalt  }
0x58: {  	_ =	shalt  }
0x59: {  	_ =	shalt  }
0x5a: {  	_ =	shalt  }
0x5b: {  	_ =	shalt  }
0x5c: {  	_ =	shalt  }
0x5d: {  	_ =	shalt  }
0x5e: {  	_ =	shalt  }
0x5f: {  	_ =	shalt  }
0x60: {  	_ =	shalt  }
0x61: {  	_ =	shalt  }
0x62: {  	_ =	shalt  }
0x63: {  	_ =	shalt  }
0x64: {  	_ =	shalt  }
0x65: {  	_ =	shalt  }
0x66: {  	_ =	shalt  }
0x67: {  	_ =	shalt  }
0x68: {  	_ =	shalt  }
0x69: {  	_ =	shalt  }
0x6a: {  	_ =	shalt  }
0x6b: {  	_ =	shalt  }
0x6c: {  	_ =	shalt  }
0x6d: {  	_ =	shalt  }
0x6e: {  	_ =	shalt  }
0x6f: {  	_ =	shalt  }
0x70: {  	_ =	shalt  }
0x71: {  	_ =	shalt  }
0x72: {  	_ =	shalt  }
0x73: {  	_ =	shalt  }
0x74: {  	_ =	shalt  }
0x75: {  	_ =	shalt  }
0x76: {  	_ =	shalt  }
0x77: {  	_ =	shalt  }
0x78: {  	_ =	shalt  }
0x79: {  	_ =	shalt  }
0x7a: {  	_ =	shalt  }
0x7b: {  	_ =	shalt  }
0x7c: {  	_ =	shalt  }
0x7d: {  	_ =	shalt  }
0x7e: {  	_ =	shalt  }
0x7f: {  	_ =	shalt  }
0x80: {  	_ =	shalt  }
0x81: {  	_ =	shalt  }
0x82: {  	_ =	shalt  }
0x83: {  	_ =	shalt  }
0x84: {  	_ =	shalt  }
0x85: {  	_ =	shalt  }
0x86: {  	_ =	shalt  }
0x87: {  	_ =	shalt  }
.Lfunc_end0:
.L_simem_size_0:
called_computation_lowered:
.L_overlay_start_0:
0x88: {  	s2 =	sld [smem:$0x3FD9]  }
0x89: {  	s3 =	sld [smem:$0x3FFE];
	_ =	sdelay $0x1  }
0x8a: {  	s1 =	srdreg.scid  }
0x8b: {  	s0 =	sand.u32 $0x1, s1  }
0x8c: {  	s17 =	sshll.u32 s0, $0xA;
	s2 =	sadd.s32 s3, s2  }
0x8d: {  	s2 =	sadd.s32 s2, s17  }
0x8e: {  	[smem:$0x3FC6] =	sst s2  }
0x8f: {  	_ = 	snop  }
0x90: {  	s2 =	sld [smem:$0x3FC8]  }
0x91: {  	s18 =	sld [smem:$0x3FD0];
	(tm) =	ssettm $0x1  }
0x92: {  	s4 =	sld [smem:$0x3FFB];
	_ =	sdelay $0x3  }
0x93: {  	_ =	strace s4  }
0x94: {  	s4 =	sld [smem:$0x3FFC];
	_ =	sdelay $0x3  }
0x95: {  	_ =	strace s4  }
0x96: {  	s4 =	sld [smem:$0x3FFD];
	_ =	sdelay $0x3  }
0x97: {  	_ =	strace s4  }
0x98: {  	_ =	strace $0x8FFFFFFF  }
0x99: {  	s19 =	sld [smem:$0x3FDB];
	_ =	sdelay $0x1  }
0x9a: {  	s5 =	simm.s32 $_scs_section_size  }
0x9b: {  	s6 =	simm.s32 $_size__tile_overlayer_lowered;
	s7 =	simm.s32 $_tile_overlayer_lowered  }
0x9c: {  	s22 =	simm.s32 $0x1BFF;
	s21 =	sshll.u32 s7, $0x1;
	s4 =	sadd.s32 s5, s19  }
0x9d: {  	s8 =	simm.s32 $0x0;
	s20 =	sshll.u32 s6, $0x1;
	s6 =	sadd.s32 s21, s4  }
0x9e: {  	[timem:s8], [sflag:s22] =	dma.local [hbm:s6], s20  }
0x9f: {  	_ =	swait.ge [sflag:s22], s20  }
0xa0: {  	s5 =	ssub.s32 $0x0, s20;
	[sflag:s22] =	ssyncset.done $0x0  }
0xa1: {  	[sflag:s22] =	ssyncadd.s32 s5;
	_ =	sdelay $0x1  }
0xa2: {  	s23 =	simm.s32 $0x1B8B  }
0xa3: {  	_ =	swait.ge [sflag:s23], $0x1  }
0xa4: {  	[sflag:s23] =	ssyncset.done $0x0  }
0xa5: {  	s25 =	simm.s32 $0x1B8E;
	s24 =	sld [smem:$0x3FFE];
	[sflag:s23] =	ssyncadd.s32 $0xFFFFFFFF  }
0xa6: {  	s26 =	simm.s32 $execute0_lowered;
	[smem:$0x3FD2] =	sst s25  }
0xa7: {  	s6 =	sshll.u32 s26, $0x1;
	_ =	strace $0x80000046;
	[dreg:$0x1] =	wrdreg $0xFFFFFFFF  }
0xa8: {  	s28 =	simm.s32 $_size_execute0_lowered;
	s4 =	sadd.s32 s4, s6;
	[dreg:$0x0] =	wrdreg $0x0  }
0xa9: {  	s6 =	sshll.u32 s28, $0x1;
	[dreg:$0x2] =	wrdreg s4  }
0xaa: {  	[dreg:$0x3] =	wrdreg s6  }
0xab: {  	[dreg:$0x4] =	wrdreg $0xC0  }
0xac: {  	_ =	task [dreg:s8], $0x5FFFF  }
0xad: {  	[dreg:$0x1] =	wrdreg $0xFFFFFFFF  }
0xae: {  	[dreg:$0x0] =	wrdreg $0x60  }
0xaf: {  	[dreg:$0x2] =	wrdreg s18  }
0xb0: {  	[dreg:$0x3] =	wrdreg s2  }
0xb1: {  	[dreg:$0x4] =	wrdreg s24  }
0xb2: {  	[dreg:$0x5] =	wrdreg $0x9  }
0xb3: {  	_ =	task.clear_ibuf [dreg:s8], $0x6FFFF;
	_ =	strace $0x90000046  }
0xb4: {  	s29 =	simm.s32 $0x9;
	_ =	strace $0x80000048  }
0xb5: {  	_ =	swait.ge [sflag:s29], $0x1  }
0xb6: {  	[sflag:s29] =	ssyncadd.s32 $0xFFFFFFFF  }
0xb7: {  	_ =	strace $0x90000048  }
0xb8: {  	_ =	sfence  }
0xb9: {  	s30 =	sld [smem:$0x0];
	_ =	sdelay $0x2  }
0xba: {  	s31 =	sshll.u32 s1, $0xD;
	s1 =	sshrl.u32 s1, $0x2  }
0xbb: {  	s3 =	sand.u32 $0x4000, s31;
	s1 =	sadd.s32 s1, s30  }
0xbc: {  	s0 =	sor.u32 s3, s0;
	s1 =	sshll.u32 s1, $0x11  }
0xbd: {  	s0 =	sor.u32 s1, s0  }
0xbe: {  	s0 =	sadd.s32 $0x8F2B, s0  }
0xbf: {  	[sflag:s0] =	ssyncadd.remote.s32 $0x1  }
0xc0: {  	_ =	sfence.sel $0xFFFF  }
0xc1: {  	[dreg:$0x0] =	wrdreg $0xFFFFFFFF;
	(pc) =	sbr.abs _section_cstart, $3  }
0xc2: {  	[dreg:$0x1] =	wrdreg $0xFFFFFFFF  }
0xc3: {  	_ =	task.clear_ibuf [dreg:s8], $0x2FFFF;
	_ =	strace $0x9FFFFFFF  }
0xc4: {  	(tm) =	ssettm $0x7FFFFFFF  }
0xc5: {  	_ =	shalt  }
tec
execute0_lowered:
.L_overlay_start_1:
0x0: {  	(tag) =	ssettag $0x1  }
0x1: {  	s1 =	rddreg [dreg:$0x0]  }
0x2: {  	s5 =	rddreg [dreg:$0x1];
	s2 =	srdreg.scid  }
0x3: {  	s0 =	stileid.u32;
	s4 =	rddreg [dreg:$0x2];
	s3 =	simm.s32 $0x0  }
0x4: {  	s19 =	simm.s32 $0x2;
	s20 =	simm.s32 $0x70;
	s21 =	simm.s32 $0xE0  }
0x5: {  	s22 =	simm.s32 $0x150;
	s23 =	simm.s32 $0x1C0;
	s24 =	simm.s32 $0x230  }
0x6: {  	s6 =	sand.u32 $0x1, s2;
	s7 =	sshll.u32 s0, $0x1;
	s12 =	sshrl.u32 s0, $0x1  }
0x7: {  	s26 =	simm.s32 $0x310;
	s9 =	sor.u32 s6, s7;
	s25 =	smul.u32 $0xC40, s12  }
0x8: {  	s28 =	simm.s32 $0x1;
	s2 =	rddreg [dreg:$0x3];
	s13 =	smul.u32 $0x24C00, s9  }
0x9: {  	[smem:$0x7FF] =	sst s3;
	s7 =	sand.u32 $0x3, s9;
	s14 =	smul.u32 $0x4980, s9  }
0xa: {  	s11 =	sadd.s32 $0x400, s4;
	s6 =	ssub.s32 $0x2, s6;
	s8 =	smul.u32 $0x310, s7  }
0xb: {  	_ =	strace $0x80000047;
	s30 =	sshrl.u32 s6, $0x1;
	s7 =	smul.u32 $0x62, s7  }
0xc: {  	s18 =	ssub.s32 s6, s30;
	v0 =	vmov s25;
	s25 =	simm.s32 $0x2A0;
	s13 =	sshrl.u32 s13, $0x3  }
0xd: {  	s18 =	smax.u32 s18, $0x1;
	s31 =	sshrl.u32 s8, $0x3;
	s4 =	sadd.s32 s5, s7  }
0xe: {  	s17 =	sadd.s32 s11, s13;
	s11 =	sadd.s32 s11, s14;
	s10 =	sadd.s32 s5, s31  }
0xf: {  	s12 =	sadd.s32 $0xA80, s17;
	s13 =	sadd.s32 $0x1500, s17;
	s14 =	sadd.s32 $0x1F80, s17  }
0x10: {  	s15 =	sadd.s32 $0x2A00, s17;
	s16 =	sadd.s32 $0x3480, s17;
	s17 =	sadd.s32 $0x3F00, s17  }
0x11: {  	s5 =	sadd.s32 $0xE, s10;
	s6 =	sadd.s32 $0x1C, s10;
	s7 =	sadd.s32 $0x2A, s10  }
0x12: {  	s8 =	sadd.s32 $0x38, s10;
	s9 =	sadd.s32 $0x46, s10;
	s10 =	sadd.s32 $0x54, s10  }
.LBB2_1:
0x13: {  	[tilespmem:s3], [sflag:$0x2] =	stream.linear.gather [hbm4b:s4+s3], $0x70, $0x38;
	[tilespmem:$0x5710] =	vst v63  }
0x14: {  	_ =	swait.ge [sflag:s19], $0x70  }
0x15: {  	[sflag:s19] =	ssyncset.done $0x0  }
0x16: {  	[sflag:s19] =	ssyncadd.s32 $0xFFFFFF90  }
0x17: {  	[tilespmem:s20], [sflag:$0x2] =	stream.linear.gather [hbm4b:s5+s3], $0x70, $0x38;
	[tilespmem:$0x5710] =	vst v63  }
0x18: {  	_ =	swait.ge [sflag:s19], $0x70  }
0x19: {  	[sflag:s19] =	ssyncset.done $0x0  }
0x1a: {  	[sflag:s19] =	ssyncadd.s32 $0xFFFFFF90  }
0x1b: {  	[tilespmem:s21], [sflag:$0x2] =	stream.linear.gather [hbm4b:s6+s3], $0x70, $0x38;
	[tilespmem:$0x5710] =	vst v63  }
0x1c: {  	_ =	swait.ge [sflag:s19], $0x70  }
0x1d: {  	[sflag:s19] =	ssyncset.done $0x0  }
0x1e: {  	[sflag:s19] =	ssyncadd.s32 $0xFFFFFF90  }
0x1f: {  	[tilespmem:s22], [sflag:$0x2] =	stream.linear.gather [hbm4b:s7+s3], $0x70, $0x38;
	[tilespmem:$0x5710] =	vst v63  }
0x20: {  	_ =	swait.ge [sflag:s19], $0x70  }
0x21: {  	[sflag:s19] =	ssyncset.done $0x0  }
0x22: {  	[sflag:s19] =	ssyncadd.s32 $0xFFFFFF90  }
0x23: {  	[tilespmem:s23], [sflag:$0x2] =	stream.linear.gather [hbm4b:s8+s3], $0x70, $0x38;
	[tilespmem:$0x5710] =	vst v63  }
0x24: {  	_ =	swait.ge [sflag:s19], $0x70  }
0x25: {  	[sflag:s19] =	ssyncset.done $0x0  }
0x26: {  	[sflag:s19] =	ssyncadd.s32 $0xFFFFFF90  }
0x27: {  	[tilespmem:s24], [sflag:$0x2] =	stream.linear.gather [hbm4b:s9+s3], $0x70, $0x38;
	[tilespmem:$0x5710] =	vst v63  }
0x28: {  	_ =	swait.ge [sflag:s19], $0x70  }
0x29: {  	[sflag:s19] =	ssyncset.done $0x0  }
0x2a: {  	[sflag:s19] =	ssyncadd.s32 $0xFFFFFF90  }
0x2b: {  	[tilespmem:s25], [sflag:$0x2] =	stream.linear.gather [hbm4b:s10+s3], $0x70, $0x38;
	[tilespmem:$0x5710] =	vst v63  }
0x2c: {  	_ =	swait.ge [sflag:s19], $0x70  }
0x2d: {  	[sflag:s19] =	ssyncset.done $0x0  }
0x2e: {  	[sflag:s19] =	ssyncadd.s32 $0xFFFFFF90  }
0x2f: {  	v1 =	vld [tilespmem:$0x0]  }
0x30: {  	v2 =	vld [tilespmem:$0x10]  }
0x31: {  	v3 =	vld [tilespmem:$0x20]  }
0x32: {  	v4 =	vld [tilespmem:$0x30]  }
0x33: {  	v5 =	vld [tilespmem:$0x40]  }
0x34: {  	v6 =	vld [tilespmem:$0x50];
	v1 =	vadd.s32 v0, v1  }
0x35: {  	[tilespmem:$0x0] =	vst v1;
	v1 =	vadd.s32 v0, v2;
	v2 =	vld [tilespmem:$0x60]  }
0x36: {  	[tilespmem:$0x10] =	vst v1;
	v1 =	vadd.s32 v0, v3;
	v3 =	vld [tilespmem:$0x70]  }
0x37: {  	v39 =	vld [tilespmem:$0x80];
	[tilespmem:$0x20] =	vst v1;
	v1 =	vadd.s32 v0, v4  }
0x38: {  	v40 =	vld [tilespmem:$0x90];
	[tilespmem:$0x30] =	vst v1;
	v1 =	vadd.s32 v0, v5  }
0x39: {  	v41 =	vld [tilespmem:$0xA0];
	[tilespmem:$0x40] =	vst v1;
	v1 =	vadd.s32 v0, v6  }
0x3a: {  	[tilespmem:$0x50] =	vst v1;
	v1 =	vadd.s32 v0, v2;
	v2 =	vld [tilespmem:$0xB0]  }
0x3b: {  	[tilespmem:$0x60] =	vst v1;
	v1 =	vadd.s32 v0, v3;
	v3 =	vld [tilespmem:$0xC0]  }
0x3c: {  	v42 =	vld [tilespmem:$0xD0];
	[tilespmem:$0x70] =	vst v1;
	v1 =	vadd.s32 v0, v39  }
0x3d: {  	v43 =	vld [tilespmem:$0xE0];
	[tilespmem:$0x80] =	vst v1;
	v1 =	vadd.s32 v0, v40  }
0x3e: {  	v44 =	vld [tilespmem:$0xF0];
	[tilespmem:$0x90] =	vst v1;
	v1 =	vadd.s32 v0, v41  }
0x3f: {  	[tilespmem:$0xA0] =	vst v1;
	v1 =	vadd.s32 v0, v2;
	v2 =	vld [tilespmem:$0x100]  }
0x40: {  	[tilespmem:$0xB0] =	vst v1;
	v1 =	vadd.s32 v0, v3;
	v3 =	vld [tilespmem:$0x110]  }
0x41: {  	v45 =	vld [tilespmem:$0x120];
	[tilespmem:$0xC0] =	vst v1;
	v1 =	vadd.s32 v0, v42  }
0x42: {  	v46 =	vld [tilespmem:$0x130];
	[tilespmem:$0xD0] =	vst v1;
	v1 =	vadd.s32 v0, v43  }
0x43: {  	v47 =	vld [tilespmem:$0x140];
	[tilespmem:$0xE0] =	vst v1;
	v1 =	vadd.s32 v0, v44  }
0x44: {  	[tilespmem:$0xF0] =	vst v1;
	v1 =	vadd.s32 v0, v2;
	v2 =	vld [tilespmem:$0x150]  }
0x45: {  	[tilespmem:$0x100] =	vst v1;
	v1 =	vadd.s32 v0, v3;
	v3 =	vld [tilespmem:$0x160]  }
0x46: {  	v48 =	vld [tilespmem:$0x170];
	[tilespmem:$0x110] =	vst v1;
	v1 =	vadd.s32 v0, v45  }
0x47: {  	v49 =	vld [tilespmem:$0x180];
	[tilespmem:$0x120] =	vst v1;
	v1 =	vadd.s32 v0, v46  }
0x48: {  	v50 =	vld [tilespmem:$0x190];
	[tilespmem:$0x130] =	vst v1;
	v1 =	vadd.s32 v0, v47  }
0x49: {  	[tilespmem:$0x140] =	vst v1;
	v1 =	vadd.s32 v0, v2;
	v2 =	vld [tilespmem:$0x1A0]  }
0x4a: {  	[tilespmem:$0x150] =	vst v1;
	v1 =	vadd.s32 v0, v3;
	v3 =	vld [tilespmem:$0x1B0]  }
0x4b: {  	v51 =	vld [tilespmem:$0x1C0];
	[tilespmem:$0x160] =	vst v1;
	v1 =	vadd.s32 v0, v48  }
0x4c: {  	v52 =	vld [tilespmem:$0x1D0];
	[tilespmem:$0x170] =	vst v1;
	v1 =	vadd.s32 v0, v49  }
0x4d: {  	v53 =	vld [tilespmem:$0x1E0];
	[tilespmem:$0x180] =	vst v1;
	v1 =	vadd.s32 v0, v50  }
0x4e: {  	[tilespmem:$0x190] =	vst v1;
	v1 =	vadd.s32 v0, v2;
	v2 =	vld [tilespmem:$0x1F0]  }
0x4f: {  	[tilespmem:$0x1A0] =	vst v1;
	v1 =	vadd.s32 v0, v3;
	v3 =	vld [tilespmem:$0x200]  }
0x50: {  	v54 =	vld [tilespmem:$0x210];
	[tilespmem:$0x1B0] =	vst v1;
	v1 =	vadd.s32 v0, v51  }
0x51: {  	v55 =	vld [tilespmem:$0x220];
	[tilespmem:$0x1C0] =	vst v1;
	v1 =	vadd.s32 v0, v52  }
0x52: {  	v56 =	vld [tilespmem:$0x230];
	[tilespmem:$0x1D0] =	vst v1;
	v1 =	vadd.s32 v0, v53  }
0x53: {  	[tilespmem:$0x1E0] =	vst v1;
	v1 =	vadd.s32 v0, v2;
	v2 =	vld [tilespmem:$0x240]  }
0x54: {  	[tilespmem:$0x1F0] =	vst v1;
	v1 =	vadd.s32 v0, v3;
	v3 =	vld [tilespmem:$0x250]  }
0x55: {  	v57 =	vld [tilespmem:$0x260];
	[tilespmem:$0x200] =	vst v1;
	v1 =	vadd.s32 v0, v54  }
0x56: {  	v58 =	vld [tilespmem:$0x270];
	[tilespmem:$0x210] =	vst v1;
	v1 =	vadd.s32 v0, v55  }
0x57: {  	v59 =	vld [tilespmem:$0x280];
	[tilespmem:$0x220] =	vst v1;
	v1 =	vadd.s32 v0, v56  }
0x58: {  	[tilespmem:$0x230] =	vst v1;
	v1 =	vadd.s32 v0, v2;
	v2 =	vld [tilespmem:$0x290]  }
0x59: {  	[tilespmem:$0x240] =	vst v1;
	v1 =	vadd.s32 v0, v3;
	v3 =	vld [tilespmem:$0x2A0]  }
0x5a: {  	v60 =	vld [tilespmem:$0x2B0];
	[tilespmem:$0x250] =	vst v1;
	v1 =	vadd.s32 v0, v57  }
0x5b: {  	v61 =	vld [tilespmem:$0x2C0];
	[tilespmem:$0x260] =	vst v1;
	v1 =	vadd.s32 v0, v58  }
0x5c: {  	v62 =	vld [tilespmem:$0x2D0];
	[tilespmem:$0x270] =	vst v1;
	v1 =	vadd.s32 v0, v59  }
0x5d: {  	[tilespmem:$0x280] =	vst v1;
	v1 =	vadd.s32 v0, v2;
	v2 =	vld [tilespmem:$0x2E0]  }
0x5e: {  	[tilespmem:$0x290] =	vst v1;
	v1 =	vadd.s32 v0, v3;
	v3 =	vld [tilespmem:$0x2F0]  }
0x5f: {  	v63 =	vld [tilespmem:$0x300];
	[tilespmem:$0x2A0] =	vst v1;
	v1 =	vadd.s32 v0, v60  }
0x60: {  	[tilespmem:$0x2B0] =	vst v1;
	v1 =	vadd.s32 v0, v61  }
0x61: {  	[tilespmem:$0x2C0] =	vst v1;
	v1 =	vadd.s32 v0, v62  }
0x62: {  	[tilespmem:$0x2D0] =	vst v1;
	v1 =	vadd.s32 v0, v2  }
0x63: {  	[tilespmem:$0x2E0] =	vst v1;
	v1 =	vadd.s32 v0, v3  }
0x64: {  	[tilespmem:$0x2F0] =	vst v1;
	v1 =	vadd.s32 v0, v63  }
0x65: {  	[tilespmem:$0x300] =	vst v1  }
0x66: {  	[tilespmem:s26], [sflag:$0x1] =	stream.indirect.gather [hbm4b:s1+s20], $0xC0, s3, s20, $0xb8;
	[tilespmem:$0x5710] =	vst v63  }
0x67: {  	_ =	swait.ge [sflag:s28], $0x5400  }
0x68: {  	[sflag:s28] =	ssyncset.done $0x0  }
0x69: {  	[sflag:s28] =	ssyncadd.s32 $0xFFFFAC00  }
0x6a: {  	[hbm4b:s11+s3] =	stream.linear.scatter [tilespmem:s26], [sflag:$0x2], $0x5400, $0x38;
	[tilespmem:$0x5710] =	vst v63  }
0x6b: {  	_ =	swait.ge [sflag:s19], $0x5400  }
0x6c: {  	[sflag:s19] =	ssyncset.done $0x0  }
0x6d: {  	[sflag:s19] =	ssyncadd.s32 $0xFFFFAC00  }
0x6e: {  	[tilespmem:s26], [sflag:$0x1] =	stream.indirect.gather [hbm4b:s1+s20], $0xC0, s20, s20, $0xb8;
	[tilespmem:$0x5710] =	vst v63  }
0x6f: {  	_ =	swait.ge [sflag:s28], $0x5400  }
0x70: {  	[sflag:s28] =	ssyncset.done $0x0  }
0x71: {  	[sflag:s28] =	ssyncadd.s32 $0xFFFFAC00  }
0x72: {  	[hbm4b:s12+s3] =	stream.linear.scatter [tilespmem:s26], [sflag:$0x2], $0x5400, $0x38;
	[tilespmem:$0x5710] =	vst v63  }
0x73: {  	_ =	swait.ge [sflag:s19], $0x5400  }
0x74: {  	[sflag:s19] =	ssyncset.done $0x0  }
0x75: {  	[sflag:s19] =	ssyncadd.s32 $0xFFFFAC00  }
0x76: {  	[tilespmem:s26], [sflag:$0x1] =	stream.indirect.gather [hbm4b:s1+s20], $0xC0, s21, s20, $0xb8;
	[tilespmem:$0x5710] =	vst v63  }
0x77: {  	_ =	swait.ge [sflag:s28], $0x5400  }
0x78: {  	[sflag:s28] =	ssyncset.done $0x0  }
0x79: {  	[sflag:s28] =	ssyncadd.s32 $0xFFFFAC00  }
0x7a: {  	[hbm4b:s13+s3] =	stream.linear.scatter [tilespmem:s26], [sflag:$0x2], $0x5400, $0x38;
	[tilespmem:$0x5710] =	vst v63  }
0x7b: {  	_ =	swait.ge [sflag:s19], $0x5400  }
0x7c: {  	[sflag:s19] =	ssyncset.done $0x0  }
0x7d: {  	[sflag:s19] =	ssyncadd.s32 $0xFFFFAC00  }
0x7e: {  	[tilespmem:s26], [sflag:$0x1] =	stream.indirect.gather [hbm4b:s1+s20], $0xC0, s22, s20, $0xb8;
	[tilespmem:$0x5710] =	vst v63  }
0x7f: {  	_ =	swait.ge [sflag:s28], $0x5400  }
0x80: {  	[sflag:s28] =	ssyncset.done $0x0  }
0x81: {  	[sflag:s28] =	ssyncadd.s32 $0xFFFFAC00  }
0x82: {  	[hbm4b:s14+s3] =	stream.linear.scatter [tilespmem:s26], [sflag:$0x2], $0x5400, $0x38;
	[tilespmem:$0x5710] =	vst v63  }
0x83: {  	_ =	swait.ge [sflag:s19], $0x5400  }
0x84: {  	[sflag:s19] =	ssyncset.done $0x0  }
0x85: {  	[sflag:s19] =	ssyncadd.s32 $0xFFFFAC00  }
0x86: {  	[tilespmem:s26], [sflag:$0x1] =	stream.indirect.gather [hbm4b:s1+s20], $0xC0, s23, s20, $0xb8;
	[tilespmem:$0x5710] =	vst v63  }
0x87: {  	_ =	swait.ge [sflag:s28], $0x5400  }
0x88: {  	[sflag:s28] =	ssyncset.done $0x0  }
0x89: {  	[sflag:s28] =	ssyncadd.s32 $0xFFFFAC00  }
0x8a: {  	[hbm4b:s15+s3] =	stream.linear.scatter [tilespmem:s26], [sflag:$0x2], $0x5400, $0x38;
	[tilespmem:$0x5710] =	vst v63  }
0x8b: {  	_ =	swait.ge [sflag:s19], $0x5400  }
0x8c: {  	[sflag:s19] =	ssyncset.done $0x0  }
0x8d: {  	[sflag:s19] =	ssyncadd.s32 $0xFFFFAC00  }
0x8e: {  	[tilespmem:s26], [sflag:$0x1] =	stream.indirect.gather [hbm4b:s1+s20], $0xC0, s24, s20, $0xb8;
	[tilespmem:$0x5710] =	vst v63  }
0x8f: {  	_ =	swait.ge [sflag:s28], $0x5400  }
0x90: {  	[sflag:s28] =	ssyncset.done $0x0  }
0x91: {  	[sflag:s28] =	ssyncadd.s32 $0xFFFFAC00  }
0x92: {  	[hbm4b:s16+s3] =	stream.linear.scatter [tilespmem:s26], [sflag:$0x2], $0x5400, $0x38;
	[tilespmem:$0x5710] =	vst v63  }
0x93: {  	_ =	swait.ge [sflag:s19], $0x5400  }
0x94: {  	[sflag:s19] =	ssyncset.done $0x0  }
0x95: {  	[sflag:s19] =	ssyncadd.s32 $0xFFFFAC00  }
0x96: {  	[tilespmem:s26], [sflag:$0x1] =	stream.indirect.gather [hbm4b:s1+s20], $0xC0, s25, s20, $0xb8;
	[tilespmem:$0x5710] =	vst v63  }
0x97: {  	_ =	swait.ge [sflag:s28], $0x5400  }
0x98: {  	p0 =	sne.s32 s18, $0x1;
	[sflag:s28] =	ssyncset.done $0x0  }
.Ltmp0:
0x99: {  	[sflag:s28] =	ssyncadd.s32 $0xFFFFAC00;
	(pc) =	sbr.rel @p0 .LBB2_1-.Ltmp0, $4  }
0x9a: {  	[hbm4b:s17+s3] =	stream.linear.scatter [tilespmem:s26], [sflag:$0x2], $0x5400, $0x38;
	[tilespmem:$0x5710] =	vst v63  }
0x9b: {  	_ =	swait.ge [sflag:s19], $0x5400  }
0x9c: {  	[sflag:s19] =	ssyncset.done $0x0  }
0x9d: {  	s18 =	sadd.s32 $0xFFFFFFFF, s18;
	[sflag:s19] =	ssyncadd.s32 $0xFFFFAC00  }
0x9e: {  	_ =	sfence.sel $0x180000  }
0x9f: {  	[bflag:$0x0] =	sbarrier.arrive $0xFFFF  }
0xa0: {  	p0 =	sne.s32 s0, $0x0;
	_ =	strace $0x90000047  }
0xa1: {  	s0 =	sadd.s32 @!p0 $0x100000, s2;
	[bflag:$0x2] =	sbarrier.arrive $0xFFFF  }
0xa2: {  	[sflag:s0] =	ssyncadd.tile.s32 @!p0 $0x1;
	_ =	shalt  }
.Lfunc_end2:
_tile_overlayer_lowered:
.L_overlay_start_2:
0xa3: {  	(tag) =	ssettag $0x2  }
0xa4: {  	s0 =	rddreg [dreg:$0x0];
	s2 =	stileid.u32  }
0xa5: {  	s1 =	rddreg [dreg:$0x1];
	p0 =	sne.s32 s2, $0x0  }
0xa6: {  	s3 =	rddreg [dreg:$0x2];
	[bflag:$0x3] =	sbarrier.arrive $0xFFFF;
	s2 =	simm.s32 @!p0 $0x1C02  }
0xa7: {  	[timem:s3], [sflag:s2] =	dma.local @!p0 [hbm:s0], s1  }
0xa8: {  	s0 =	simm.s32 @!p0 $0x2  }
0xa9: {  	_ =	swait.ge @!p0 [sflag:s0], s1  }
0xaa: {  	s1 =	ssub.s32 @!p0 $0x0, s1;
	[sflag:s0] =	ssyncset.done @!p0 $0x0  }
0xab: {  	[sflag:s0] =	ssyncadd.s32 @!p0 s1  }
0xac: {  	[bflag:$0x3] =	sbarrier.arrive $0xFFFF  }
0xad: {  	_ =	shalt  }

</sc_bundles>
